<compile_context>
chip_gen: v7x
topology: tpu7x:2x2x1
jax: 0.10.2.dev20260603
libtpu: 0.0.44.dev20260713+nightly
codegen_flags: <defaults>
</compile_context>

<pallas_src>
import functools

import jax
import jax.numpy as jnp
from jax import lax
from jax.experimental import pallas as pl
from jax.experimental.pallas import tpu as pltpu
from jax.experimental.pallas import tpu_sc as plsc

_INFO = plsc.get_sparse_core_info()
_NC, _NS, _L = _INFO.num_cores, _INFO.num_subcores, _INFO.num_lanes
_NW = _NC * _NS
_CH = 128


def kernel(user, song, user_weight, song_weight):
    B = user.shape[0]
    D = user_weight.shape[1]
    b_per_w = B // _NW
    n_chunks = b_per_w // _CH
    n_groups = b_per_w // _L

    mesh = plsc.VectorSubcoreMesh(core_axis_name="c", subcore_axis_name="s")

    @functools.partial(
        pl.kernel,
        mesh=mesh,
        out_type=jax.ShapeDtypeStruct((B,), jnp.float32),
        compiler_params=pltpu.CompilerParams(
            needs_layout_passes=False, use_tc_tiling_on_sc=False),
        scratch_types=[
            pltpu.VMEM((n_chunks, _CH), jnp.int32),
            pltpu.VMEM((n_chunks, _CH), jnp.int32),
            pltpu.VMEM((b_per_w, D), jnp.float32),
            pltpu.VMEM((b_per_w, D), jnp.float32),
            pltpu.VMEM((b_per_w,), jnp.float32),
            pltpu.SemaphoreType.DMA,
        ],
    )
    def sc_kernel(user_hbm, song_hbm, uw_hbm, sw_hbm, out_hbm,
                  uidx, sidx, urows, srows, outv, sem):
        wid = lax.axis_index("s") * _NC + lax.axis_index("c")
        row0 = wid * n_chunks
        base = wid * b_per_w

        pltpu.sync_copy(user_hbm.at[pl.ds(row0, n_chunks)], uidx)
        pltpu.sync_copy(song_hbm.at[pl.ds(row0, n_chunks)], sidx)

        copies = []
        for j in range(n_chunks):
            copies.append(pltpu.async_copy(
                uw_hbm.at[uidx.at[j]], urows.at[pl.ds(j * _CH, _CH)], sem))
            copies.append(pltpu.async_copy(
                sw_hbm.at[sidx.at[j]], srows.at[pl.ds(j * _CH, _CH)], sem))
        for c in copies:
            c.wait()

        lane = lax.iota(jnp.int32, _L)

        def group_body(g, carry):
            base_row = g * _L
            acc = jnp.zeros((_L,), jnp.float32)
            for k in range(_L):
                u = urows[base_row + k]
                s = srows[base_row + k]
                t = jnp.sum(u * s)
                acc = jnp.where(lane == k, t, acc)
            outv[pl.ds(base_row, _L)] = jnp.maximum(acc, 0.0)
            return carry

        lax.fori_loop(0, n_groups, group_body, 0)

        pltpu.sync_copy(outv, out_hbm.at[pl.ds(base, b_per_w)])

    user2d = user.reshape(_NW * n_chunks, _CH)
    song2d = song.reshape(_NW * n_chunks, _CH)
    return sc_kernel(user2d, song2d, user_weight, song_weight)

# --- scband reference (transcript-rebuilt; emitter-appended) ---
"""Pipeline reference for scband-linear-12171937317602 (READ-ONLY COPY).

The authoritative reference and input builder live on the scoring server;
editing this copy changes nothing except your own understanding.
"""

import jax, jax.numpy as jnp
import numpy as np

USER_CNT = 1000000
SONG_CNT = 1000000
USER_DIM = 16
SONG_DIM = 16
BATCH = 16384


def setup_inputs(seed: int = 0) -> dict:
    key = jax.random.key(seed)
    k1, k2, k3, k4 = jax.random.split(key, 4)
    user = jax.random.randint(k1, (BATCH,), 0, USER_CNT, dtype=jnp.int64 if jax.config.jax_enable_x64 else jnp.int32).astype(jnp.int32)
    song = jax.random.randint(k2, (BATCH,), 0, SONG_CNT, dtype=jnp.int64 if jax.config.jax_enable_x64 else jnp.int32).astype(jnp.int32)
    user_weight = jax.random.normal(k3, (USER_CNT, USER_DIM), dtype=jnp.float32)
    song_weight = jax.random.normal(k4, (SONG_CNT, SONG_DIM), dtype=jnp.float32)
    return {"user": user, "song": song, "user_weight": user_weight, "song_weight": song_weight}


def reference(user, song, user_weight, song_weight):
    # embedding lookups (gather)
    u = jnp.take(user_weight, user, axis=0)   # [B, 16]
    s = jnp.take(song_weight, song, axis=0)   # [B, 16]
    x = jnp.sum(u * s, axis=1)                # [B]
    x = jax.nn.relu(x)
    return x

if __name__ == "__main__":
    import jax
    _d = setup_inputs()
    print(jax.jit(kernel)(*tuple(_d.values())))

</pallas_src>

<mosaic_0001>
#map = affine_map<(d0, d1) -> (0, 0)>
#map1 = affine_map<(d0, d1) -> (0)>
module attributes {stable_mosaic.version = 14 : i64} {
  func.func @sc_kernel(%arg0: i32, %arg1: i32, %arg2: memref<128x128xi32, #tpu.memory_space<hbm>>, %arg3: memref<128x128xi32, #tpu.memory_space<hbm>>, %arg4: memref<1000000x16xf32, #tpu.memory_space<hbm>>, %arg5: memref<1000000x16xf32, #tpu.memory_space<hbm>>, %arg6: memref<16384xf32, #tpu.memory_space<hbm>>, %arg7: memref<4x128xi32, #tpu.memory_space<vmem>>, %arg8: memref<4x128xi32, #tpu.memory_space<vmem>>, %arg9: memref<512x16xf32, #tpu.memory_space<vmem>>, %arg10: memref<512x16xf32, #tpu.memory_space<vmem>>, %arg11: memref<512xf32, #tpu.memory_space<vmem>>, %arg12: memref<!tpu.dma_semaphore, #tpu.memory_space<semaphore_mem>>) attributes {dimension_semantics = [#tpu.dimension_semantics<core_parallel>, #tpu.dimension_semantics<subcore_parallel>], iteration_bounds = array<i64: 2, 16>, scalar_prefetch = 0 : i64, scratch_operands = 6 : i64, tpu.core_type = #tpu.core_type<sc_vector_subcore>, window_params = [{transform_indices = #map}, {transform_indices = #map}, {transform_indices = #map}, {transform_indices = #map}, {transform_indices = #map1}]} {
    %mul3A = arith.constant 2 : i32
    %mul3A_0 = arith.muli %arg1, %mul3A : i32
    %add3A = arith.addi %mul3A_0, %arg0 : i32
    %mul3A_1 = arith.constant 4 : i32
    %mul3A_2 = arith.muli %add3A, %mul3A_1 : i32
    %mul3A_3 = arith.constant 512 : i32
    %mul3A_4 = arith.muli %add3A, %mul3A_3 : i32
    "tpu.region"() ({
      %run_scoped3A = tpu.sem_alloc : memref<!tpu.dma_semaphore, #tpu.memory_space<semaphore_mem>>
      %dma_start3A_168 = arith.constant 0 : i32
      %dma_start3A_169 = tpu.memref_slice %arg2[%mul3A_2, %dma_start3A_168] : memref<128x128xi32, #tpu.memory_space<hbm>> -> memref<4x128xi32, #tpu.memory_space<hbm>>
      %dma_start3A_170 = arith.constant 0 : i32
      %dma_start3A_171 = tpu.memref_slice %arg2[%mul3A_2, %dma_start3A_170] : memref<128x128xi32, #tpu.memory_space<hbm>> -> memref<4x128xi32, #tpu.memory_space<hbm>>
      tpu.enqueue_dma source(%dma_start3A_171 : memref<4x128xi32, #tpu.memory_space<hbm>>) target(%arg7 : memref<4x128xi32, #tpu.memory_space<vmem>>) target_semaphore(%run_scoped3A : memref<!tpu.dma_semaphore, #tpu.memory_space<semaphore_mem>>)
      %dma_wait3A_172 = arith.constant 0 : i32
      %dma_wait3A_173 = tpu.memref_slice %arg2[%mul3A_2, %dma_wait3A_172] : memref<128x128xi32, #tpu.memory_space<hbm>> -> memref<4x128xi32, #tpu.memory_space<hbm>>
      %dma_wait3A_174 = arith.constant 0 : i32
      %dma_wait3A_175 = tpu.memref_slice %arg2[%mul3A_2, %dma_wait3A_174] : memref<128x128xi32, #tpu.memory_space<hbm>> -> memref<4x128xi32, #tpu.memory_space<hbm>>
      tpu.wait_dma2 semaphore(%run_scoped3A : memref<!tpu.dma_semaphore, #tpu.memory_space<semaphore_mem>>) src(%dma_wait3A_175 : memref<4x128xi32, #tpu.memory_space<hbm>>) dst(%arg7 : memref<4x128xi32, #tpu.memory_space<vmem>>)
      tpu.yield
    }) : () -> ()
    "tpu.region"() ({
      %run_scoped3A = tpu.sem_alloc : memref<!tpu.dma_semaphore, #tpu.memory_space<semaphore_mem>>
      %dma_start3A_168 = arith.constant 0 : i32
      %dma_start3A_169 = tpu.memref_slice %arg3[%mul3A_2, %dma_start3A_168] : memref<128x128xi32, #tpu.memory_space<hbm>> -> memref<4x128xi32, #tpu.memory_space<hbm>>
      %dma_start3A_170 = arith.constant 0 : i32
      %dma_start3A_171 = tpu.memref_slice %arg3[%mul3A_2, %dma_start3A_170] : memref<128x128xi32, #tpu.memory_space<hbm>> -> memref<4x128xi32, #tpu.memory_space<hbm>>
      tpu.enqueue_dma source(%dma_start3A_171 : memref<4x128xi32, #tpu.memory_space<hbm>>) target(%arg8 : memref<4x128xi32, #tpu.memory_space<vmem>>) target_semaphore(%run_scoped3A : memref<!tpu.dma_semaphore, #tpu.memory_space<semaphore_mem>>)
      %dma_wait3A_172 = arith.constant 0 : i32
      %dma_wait3A_173 = tpu.memref_slice %arg3[%mul3A_2, %dma_wait3A_172] : memref<128x128xi32, #tpu.memory_space<hbm>> -> memref<4x128xi32, #tpu.memory_space<hbm>>
      %dma_wait3A_174 = arith.constant 0 : i32
      %dma_wait3A_175 = tpu.memref_slice %arg3[%mul3A_2, %dma_wait3A_174] : memref<128x128xi32, #tpu.memory_space<hbm>> -> memref<4x128xi32, #tpu.memory_space<hbm>>
      tpu.wait_dma2 semaphore(%run_scoped3A : memref<!tpu.dma_semaphore, #tpu.memory_space<semaphore_mem>>) src(%dma_wait3A_175 : memref<4x128xi32, #tpu.memory_space<hbm>>) dst(%arg8 : memref<4x128xi32, #tpu.memory_space<vmem>>)
      tpu.yield
    }) : () -> ()
    %dma_start3A = arith.constant 0 : i32
    %dma_start3A_5 = arith.constant 0 : i32
    %dma_start3A_6 = arith.constant 0 : i32
    %dma_start3A_7 = tpu.memref_slice %arg9[%dma_start3A_5, %dma_start3A_6] : memref<512x16xf32, #tpu.memory_space<vmem>> -> memref<128x16xf32, #tpu.memory_space<vmem>>
    %dma_start3A_8 = arith.constant 0 : i32
    %dma_start3A_9 = tpu.memref_slice %arg7[%dma_start3A, %dma_start3A_8] : memref<4x128xi32, #tpu.memory_space<vmem>> -> memref<1x128xi32, #tpu.memory_space<vmem>>
    %dma_start3A_10 = tpu.memref_squeeze %dma_start3A_9 : memref<1x128xi32, #tpu.memory_space<vmem>> -> memref<128xi32, #tpu.memory_space<vmem>>
    %dma_start3A_11 = arith.constant 0 : i32
    %dma_start3A_12 = arith.constant 0 : i32
    %dma_start3A_13 = tpu.memref_slice %arg4[%dma_start3A_11, %dma_start3A_12] : memref<1000000x16xf32, #tpu.memory_space<hbm>> -> memref<1000000x16xf32, #tpu.memory_space<hbm>>
    tpu.enqueue_indirect_dma source(%dma_start3A_13 : memref<1000000x16xf32, #tpu.memory_space<hbm>>) target(%dma_start3A_7 : memref<128x16xf32, #tpu.memory_space<vmem>>) offsets(%dma_start3A_10 : memref<128xi32, #tpu.memory_space<vmem>>) semaphore(%arg12 : memref<!tpu.dma_semaphore, #tpu.memory_space<semaphore_mem>>)
    %dma_start3A_14 = arith.constant 0 : i32
    %dma_start3A_15 = arith.constant 0 : i32
    %dma_start3A_16 = arith.constant 0 : i32
    %dma_start3A_17 = tpu.memref_slice %arg10[%dma_start3A_15, %dma_start3A_16] : memref<512x16xf32, #tpu.memory_space<vmem>> -> memref<128x16xf32, #tpu.memory_space<vmem>>
    %dma_start3A_18 = arith.constant 0 : i32
    %dma_start3A_19 = tpu.memref_slice %arg8[%dma_start3A_14, %dma_start3A_18] : memref<4x128xi32, #tpu.memory_space<vmem>> -> memref<1x128xi32, #tpu.memory_space<vmem>>
    %dma_start3A_20 = tpu.memref_squeeze %dma_start3A_19 : memref<1x128xi32, #tpu.memory_space<vmem>> -> memref<128xi32, #tpu.memory_space<vmem>>
    %dma_start3A_21 = arith.constant 0 : i32
    %dma_start3A_22 = arith.constant 0 : i32
    %dma_start3A_23 = tpu.memref_slice %arg5[%dma_start3A_21, %dma_start3A_22] : memref<1000000x16xf32, #tpu.memory_space<hbm>> -> memref<1000000x16xf32, #tpu.memory_space<hbm>>
    tpu.enqueue_indirect_dma source(%dma_start3A_23 : memref<1000000x16xf32, #tpu.memory_space<hbm>>) target(%dma_start3A_17 : memref<128x16xf32, #tpu.memory_space<vmem>>) offsets(%dma_start3A_20 : memref<128xi32, #tpu.memory_space<vmem>>) semaphore(%arg12 : memref<!tpu.dma_semaphore, #tpu.memory_space<semaphore_mem>>)
    %dma_start3A_24 = arith.constant 1 : i32
    %dma_start3A_25 = arith.constant 128 : i32
    %dma_start3A_26 = arith.constant 0 : i32
    %dma_start3A_27 = tpu.memref_slice %arg9[%dma_start3A_25, %dma_start3A_26] : memref<512x16xf32, #tpu.memory_space<vmem>> -> memref<128x16xf32, #tpu.memory_space<vmem>>
    %dma_start3A_28 = arith.constant 0 : i32
    %dma_start3A_29 = tpu.memref_slice %arg7[%dma_start3A_24, %dma_start3A_28] : memref<4x128xi32, #tpu.memory_space<vmem>> -> memref<1x128xi32, #tpu.memory_space<vmem>>
    %dma_start3A_30 = tpu.memref_squeeze %dma_start3A_29 : memref<1x128xi32, #tpu.memory_space<vmem>> -> memref<128xi32, #tpu.memory_space<vmem>>
    %dma_start3A_31 = arith.constant 0 : i32
    %dma_start3A_32 = arith.constant 0 : i32
    %dma_start3A_33 = tpu.memref_slice %arg4[%dma_start3A_31, %dma_start3A_32] : memref<1000000x16xf32, #tpu.memory_space<hbm>> -> memref<1000000x16xf32, #tpu.memory_space<hbm>>
    tpu.enqueue_indirect_dma source(%dma_start3A_33 : memref<1000000x16xf32, #tpu.memory_space<hbm>>) target(%dma_start3A_27 : memref<128x16xf32, #tpu.memory_space<vmem>>) offsets(%dma_start3A_30 : memref<128xi32, #tpu.memory_space<vmem>>) semaphore(%arg12 : memref<!tpu.dma_semaphore, #tpu.memory_space<semaphore_mem>>)
    %dma_start3A_34 = arith.constant 1 : i32
    %dma_start3A_35 = arith.constant 128 : i32
    %dma_start3A_36 = arith.constant 0 : i32
    %dma_start3A_37 = tpu.memref_slice %arg10[%dma_start3A_35, %dma_start3A_36] : memref<512x16xf32, #tpu.memory_space<vmem>> -> memref<128x16xf32, #tpu.memory_space<vmem>>
    %dma_start3A_38 = arith.constant 0 : i32
    %dma_start3A_39 = tpu.memref_slice %arg8[%dma_start3A_34, %dma_start3A_38] : memref<4x128xi32, #tpu.memory_space<vmem>> -> memref<1x128xi32, #tpu.memory_space<vmem>>
    %dma_start3A_40 = tpu.memref_squeeze %dma_start3A_39 : memref<1x128xi32, #tpu.memory_space<vmem>> -> memref<128xi32, #tpu.memory_space<vmem>>
    %dma_start3A_41 = arith.constant 0 : i32
    %dma_start3A_42 = arith.constant 0 : i32
    %dma_start3A_43 = tpu.memref_slice %arg5[%dma_start3A_41, %dma_start3A_42] : memref<1000000x16xf32, #tpu.memory_space<hbm>> -> memref<1000000x16xf32, #tpu.memory_space<hbm>>
    tpu.enqueue_indirect_dma source(%dma_start3A_43 : memref<1000000x16xf32, #tpu.memory_space<hbm>>) target(%dma_start3A_37 : memref<128x16xf32, #tpu.memory_space<vmem>>) offsets(%dma_start3A_40 : memref<128xi32, #tpu.memory_space<vmem>>) semaphore(%arg12 : memref<!tpu.dma_semaphore, #tpu.memory_space<semaphore_mem>>)
    %dma_start3A_44 = arith.constant 2 : i32
    %dma_start3A_45 = arith.constant 256 : i32
    %dma_start3A_46 = arith.constant 0 : i32
    %dma_start3A_47 = tpu.memref_slice %arg9[%dma_start3A_45, %dma_start3A_46] : memref<512x16xf32, #tpu.memory_space<vmem>> -> memref<128x16xf32, #tpu.memory_space<vmem>>
    %dma_start3A_48 = arith.constant 0 : i32
    %dma_start3A_49 = tpu.memref_slice %arg7[%dma_start3A_44, %dma_start3A_48] : memref<4x128xi32, #tpu.memory_space<vmem>> -> memref<1x128xi32, #tpu.memory_space<vmem>>
    %dma_start3A_50 = tpu.memref_squeeze %dma_start3A_49 : memref<1x128xi32, #tpu.memory_space<vmem>> -> memref<128xi32, #tpu.memory_space<vmem>>
    %dma_start3A_51 = arith.constant 0 : i32
    %dma_start3A_52 = arith.constant 0 : i32
    %dma_start3A_53 = tpu.memref_slice %arg4[%dma_start3A_51, %dma_start3A_52] : memref<1000000x16xf32, #tpu.memory_space<hbm>> -> memref<1000000x16xf32, #tpu.memory_space<hbm>>
    tpu.enqueue_indirect_dma source(%dma_start3A_53 : memref<1000000x16xf32, #tpu.memory_space<hbm>>) target(%dma_start3A_47 : memref<128x16xf32, #tpu.memory_space<vmem>>) offsets(%dma_start3A_50 : memref<128xi32, #tpu.memory_space<vmem>>) semaphore(%arg12 : memref<!tpu.dma_semaphore, #tpu.memory_space<semaphore_mem>>)
    %dma_start3A_54 = arith.constant 2 : i32
    %dma_start3A_55 = arith.constant 256 : i32
    %dma_start3A_56 = arith.constant 0 : i32
    %dma_start3A_57 = tpu.memref_slice %arg10[%dma_start3A_55, %dma_start3A_56] : memref<512x16xf32, #tpu.memory_space<vmem>> -> memref<128x16xf32, #tpu.memory_space<vmem>>
    %dma_start3A_58 = arith.constant 0 : i32
    %dma_start3A_59 = tpu.memref_slice %arg8[%dma_start3A_54, %dma_start3A_58] : memref<4x128xi32, #tpu.memory_space<vmem>> -> memref<1x128xi32, #tpu.memory_space<vmem>>
    %dma_start3A_60 = tpu.memref_squeeze %dma_start3A_59 : memref<1x128xi32, #tpu.memory_space<vmem>> -> memref<128xi32, #tpu.memory_space<vmem>>
    %dma_start3A_61 = arith.constant 0 : i32
    %dma_start3A_62 = arith.constant 0 : i32
    %dma_start3A_63 = tpu.memref_slice %arg5[%dma_start3A_61, %dma_start3A_62] : memref<1000000x16xf32, #tpu.memory_space<hbm>> -> memref<1000000x16xf32, #tpu.memory_space<hbm>>
    tpu.enqueue_indirect_dma source(%dma_start3A_63 : memref<1000000x16xf32, #tpu.memory_space<hbm>>) target(%dma_start3A_57 : memref<128x16xf32, #tpu.memory_space<vmem>>) offsets(%dma_start3A_60 : memref<128xi32, #tpu.memory_space<vmem>>) semaphore(%arg12 : memref<!tpu.dma_semaphore, #tpu.memory_space<semaphore_mem>>)
    %dma_start3A_64 = arith.constant 3 : i32
    %dma_start3A_65 = arith.constant 384 : i32
    %dma_start3A_66 = arith.constant 0 : i32
    %dma_start3A_67 = tpu.memref_slice %arg9[%dma_start3A_65, %dma_start3A_66] : memref<512x16xf32, #tpu.memory_space<vmem>> -> memref<128x16xf32, #tpu.memory_space<vmem>>
    %dma_start3A_68 = arith.constant 0 : i32
    %dma_start3A_69 = tpu.memref_slice %arg7[%dma_start3A_64, %dma_start3A_68] : memref<4x128xi32, #tpu.memory_space<vmem>> -> memref<1x128xi32, #tpu.memory_space<vmem>>
    %dma_start3A_70 = tpu.memref_squeeze %dma_start3A_69 : memref<1x128xi32, #tpu.memory_space<vmem>> -> memref<128xi32, #tpu.memory_space<vmem>>
    %dma_start3A_71 = arith.constant 0 : i32
    %dma_start3A_72 = arith.constant 0 : i32
    %dma_start3A_73 = tpu.memref_slice %arg4[%dma_start3A_71, %dma_start3A_72] : memref<1000000x16xf32, #tpu.memory_space<hbm>> -> memref<1000000x16xf32, #tpu.memory_space<hbm>>
    tpu.enqueue_indirect_dma source(%dma_start3A_73 : memref<1000000x16xf32, #tpu.memory_space<hbm>>) target(%dma_start3A_67 : memref<128x16xf32, #tpu.memory_space<vmem>>) offsets(%dma_start3A_70 : memref<128xi32, #tpu.memory_space<vmem>>) semaphore(%arg12 : memref<!tpu.dma_semaphore, #tpu.memory_space<semaphore_mem>>)
    %dma_start3A_74 = arith.constant 3 : i32
    %dma_start3A_75 = arith.constant 384 : i32
    %dma_start3A_76 = arith.constant 0 : i32
    %dma_start3A_77 = tpu.memref_slice %arg10[%dma_start3A_75, %dma_start3A_76] : memref<512x16xf32, #tpu.memory_space<vmem>> -> memref<128x16xf32, #tpu.memory_space<vmem>>
    %dma_start3A_78 = arith.constant 0 : i32
    %dma_start3A_79 = tpu.memref_slice %arg8[%dma_start3A_74, %dma_start3A_78] : memref<4x128xi32, #tpu.memory_space<vmem>> -> memref<1x128xi32, #tpu.memory_space<vmem>>
    %dma_start3A_80 = tpu.memref_squeeze %dma_start3A_79 : memref<1x128xi32, #tpu.memory_space<vmem>> -> memref<128xi32, #tpu.memory_space<vmem>>
    %dma_start3A_81 = arith.constant 0 : i32
    %dma_start3A_82 = arith.constant 0 : i32
    %dma_start3A_83 = tpu.memref_slice %arg5[%dma_start3A_81, %dma_start3A_82] : memref<1000000x16xf32, #tpu.memory_space<hbm>> -> memref<1000000x16xf32, #tpu.memory_space<hbm>>
    tpu.enqueue_indirect_dma source(%dma_start3A_83 : memref<1000000x16xf32, #tpu.memory_space<hbm>>) target(%dma_start3A_77 : memref<128x16xf32, #tpu.memory_space<vmem>>) offsets(%dma_start3A_80 : memref<128xi32, #tpu.memory_space<vmem>>) semaphore(%arg12 : memref<!tpu.dma_semaphore, #tpu.memory_space<semaphore_mem>>)
    %dma_wait3A = arith.constant 0 : i32
    %dma_wait3A_84 = arith.constant 0 : i32
    %dma_wait3A_85 = arith.constant 0 : i32
    %dma_wait3A_86 = tpu.memref_slice %arg9[%dma_wait3A_84, %dma_wait3A_85] : memref<512x16xf32, #tpu.memory_space<vmem>> -> memref<128x16xf32, #tpu.memory_space<vmem>>
    %dma_wait3A_87 = arith.constant 0 : i32
    %dma_wait3A_88 = tpu.memref_slice %arg7[%dma_wait3A, %dma_wait3A_87] : memref<4x128xi32, #tpu.memory_space<vmem>> -> memref<1x128xi32, #tpu.memory_space<vmem>>
    %dma_wait3A_89 = tpu.memref_squeeze %dma_wait3A_88 : memref<1x128xi32, #tpu.memory_space<vmem>> -> memref<128xi32, #tpu.memory_space<vmem>>
    %dma_wait3A_90 = arith.constant 0 : i32
    %dma_wait3A_91 = arith.constant 0 : i32
    %dma_wait3A_92 = tpu.memref_slice %arg4[%dma_wait3A_90, %dma_wait3A_91] : memref<1000000x16xf32, #tpu.memory_space<hbm>> -> memref<1000000x16xf32, #tpu.memory_space<hbm>>
    tpu.wait_indirect_dma semaphore(%arg12 : memref<!tpu.dma_semaphore, #tpu.memory_space<semaphore_mem>>) src(%dma_wait3A_92 : memref<1000000x16xf32, #tpu.memory_space<hbm>>) dst(%dma_wait3A_86 : memref<128x16xf32, #tpu.memory_space<vmem>>)
    %dma_wait3A_93 = arith.constant 0 : i32
    %dma_wait3A_94 = arith.constant 0 : i32
    %dma_wait3A_95 = arith.constant 0 : i32
    %dma_wait3A_96 = tpu.memref_slice %arg10[%dma_wait3A_94, %dma_wait3A_95] : memref<512x16xf32, #tpu.memory_space<vmem>> -> memref<128x16xf32, #tpu.memory_space<vmem>>
    %dma_wait3A_97 = arith.constant 0 : i32
    %dma_wait3A_98 = tpu.memref_slice %arg8[%dma_wait3A_93, %dma_wait3A_97] : memref<4x128xi32, #tpu.memory_space<vmem>> -> memref<1x128xi32, #tpu.memory_space<vmem>>
    %dma_wait3A_99 = tpu.memref_squeeze %dma_wait3A_98 : memref<1x128xi32, #tpu.memory_space<vmem>> -> memref<128xi32, #tpu.memory_space<vmem>>
    %dma_wait3A_100 = arith.constant 0 : i32
    %dma_wait3A_101 = arith.constant 0 : i32
    %dma_wait3A_102 = tpu.memref_slice %arg5[%dma_wait3A_100, %dma_wait3A_101] : memref<1000000x16xf32, #tpu.memory_space<hbm>> -> memref<1000000x16xf32, #tpu.memory_space<hbm>>
    tpu.wait_indirect_dma semaphore(%arg12 : memref<!tpu.dma_semaphore, #tpu.memory_space<semaphore_mem>>) src(%dma_wait3A_102 : memref<1000000x16xf32, #tpu.memory_space<hbm>>) dst(%dma_wait3A_96 : memref<128x16xf32, #tpu.memory_space<vmem>>)
    %dma_wait3A_103 = arith.constant 1 : i32
    %dma_wait3A_104 = arith.constant 128 : i32
    %dma_wait3A_105 = arith.constant 0 : i32
    %dma_wait3A_106 = tpu.memref_slice %arg9[%dma_wait3A_104, %dma_wait3A_105] : memref<512x16xf32, #tpu.memory_space<vmem>> -> memref<128x16xf32, #tpu.memory_space<vmem>>
    %dma_wait3A_107 = arith.constant 0 : i32
    %dma_wait3A_108 = tpu.memref_slice %arg7[%dma_wait3A_103, %dma_wait3A_107] : memref<4x128xi32, #tpu.memory_space<vmem>> -> memref<1x128xi32, #tpu.memory_space<vmem>>
    %dma_wait3A_109 = tpu.memref_squeeze %dma_wait3A_108 : memref<1x128xi32, #tpu.memory_space<vmem>> -> memref<128xi32, #tpu.memory_space<vmem>>
    %dma_wait3A_110 = arith.constant 0 : i32
    %dma_wait3A_111 = arith.constant 0 : i32
    %dma_wait3A_112 = tpu.memref_slice %arg4[%dma_wait3A_110, %dma_wait3A_111] : memref<1000000x16xf32, #tpu.memory_space<hbm>> -> memref<1000000x16xf32, #tpu.memory_space<hbm>>
    tpu.wait_indirect_dma semaphore(%arg12 : memref<!tpu.dma_semaphore, #tpu.memory_space<semaphore_mem>>) src(%dma_wait3A_112 : memref<1000000x16xf32, #tpu.memory_space<hbm>>) dst(%dma_wait3A_106 : memref<128x16xf32, #tpu.memory_space<vmem>>)
    %dma_wait3A_113 = arith.constant 1 : i32
    %dma_wait3A_114 = arith.constant 128 : i32
    %dma_wait3A_115 = arith.constant 0 : i32
    %dma_wait3A_116 = tpu.memref_slice %arg10[%dma_wait3A_114, %dma_wait3A_115] : memref<512x16xf32, #tpu.memory_space<vmem>> -> memref<128x16xf32, #tpu.memory_space<vmem>>
    %dma_wait3A_117 = arith.constant 0 : i32
    %dma_wait3A_118 = tpu.memref_slice %arg8[%dma_wait3A_113, %dma_wait3A_117] : memref<4x128xi32, #tpu.memory_space<vmem>> -> memref<1x128xi32, #tpu.memory_space<vmem>>
    %dma_wait3A_119 = tpu.memref_squeeze %dma_wait3A_118 : memref<1x128xi32, #tpu.memory_space<vmem>> -> memref<128xi32, #tpu.memory_space<vmem>>
    %dma_wait3A_120 = arith.constant 0 : i32
    %dma_wait3A_121 = arith.constant 0 : i32
    %dma_wait3A_122 = tpu.memref_slice %arg5[%dma_wait3A_120, %dma_wait3A_121] : memref<1000000x16xf32, #tpu.memory_space<hbm>> -> memref<1000000x16xf32, #tpu.memory_space<hbm>>
    tpu.wait_indirect_dma semaphore(%arg12 : memref<!tpu.dma_semaphore, #tpu.memory_space<semaphore_mem>>) src(%dma_wait3A_122 : memref<1000000x16xf32, #tpu.memory_space<hbm>>) dst(%dma_wait3A_116 : memref<128x16xf32, #tpu.memory_space<vmem>>)
    %dma_wait3A_123 = arith.constant 2 : i32
    %dma_wait3A_124 = arith.constant 256 : i32
    %dma_wait3A_125 = arith.constant 0 : i32
    %dma_wait3A_126 = tpu.memref_slice %arg9[%dma_wait3A_124, %dma_wait3A_125] : memref<512x16xf32, #tpu.memory_space<vmem>> -> memref<128x16xf32, #tpu.memory_space<vmem>>
    %dma_wait3A_127 = arith.constant 0 : i32
    %dma_wait3A_128 = tpu.memref_slice %arg7[%dma_wait3A_123, %dma_wait3A_127] : memref<4x128xi32, #tpu.memory_space<vmem>> -> memref<1x128xi32, #tpu.memory_space<vmem>>
    %dma_wait3A_129 = tpu.memref_squeeze %dma_wait3A_128 : memref<1x128xi32, #tpu.memory_space<vmem>> -> memref<128xi32, #tpu.memory_space<vmem>>
    %dma_wait3A_130 = arith.constant 0 : i32
    %dma_wait3A_131 = arith.constant 0 : i32
    %dma_wait3A_132 = tpu.memref_slice %arg4[%dma_wait3A_130, %dma_wait3A_131] : memref<1000000x16xf32, #tpu.memory_space<hbm>> -> memref<1000000x16xf32, #tpu.memory_space<hbm>>
    tpu.wait_indirect_dma semaphore(%arg12 : memref<!tpu.dma_semaphore, #tpu.memory_space<semaphore_mem>>) src(%dma_wait3A_132 : memref<1000000x16xf32, #tpu.memory_space<hbm>>) dst(%dma_wait3A_126 : memref<128x16xf32, #tpu.memory_space<vmem>>)
    %dma_wait3A_133 = arith.constant 2 : i32
    %dma_wait3A_134 = arith.constant 256 : i32
    %dma_wait3A_135 = arith.constant 0 : i32
    %dma_wait3A_136 = tpu.memref_slice %arg10[%dma_wait3A_134, %dma_wait3A_135] : memref<512x16xf32, #tpu.memory_space<vmem>> -> memref<128x16xf32, #tpu.memory_space<vmem>>
    %dma_wait3A_137 = arith.constant 0 : i32
    %dma_wait3A_138 = tpu.memref_slice %arg8[%dma_wait3A_133, %dma_wait3A_137] : memref<4x128xi32, #tpu.memory_space<vmem>> -> memref<1x128xi32, #tpu.memory_space<vmem>>
    %dma_wait3A_139 = tpu.memref_squeeze %dma_wait3A_138 : memref<1x128xi32, #tpu.memory_space<vmem>> -> memref<128xi32, #tpu.memory_space<vmem>>
    %dma_wait3A_140 = arith.constant 0 : i32
    %dma_wait3A_141 = arith.constant 0 : i32
    %dma_wait3A_142 = tpu.memref_slice %arg5[%dma_wait3A_140, %dma_wait3A_141] : memref<1000000x16xf32, #tpu.memory_space<hbm>> -> memref<1000000x16xf32, #tpu.memory_space<hbm>>
    tpu.wait_indirect_dma semaphore(%arg12 : memref<!tpu.dma_semaphore, #tpu.memory_space<semaphore_mem>>) src(%dma_wait3A_142 : memref<1000000x16xf32, #tpu.memory_space<hbm>>) dst(%dma_wait3A_136 : memref<128x16xf32, #tpu.memory_space<vmem>>)
    %dma_wait3A_143 = arith.constant 3 : i32
    %dma_wait3A_144 = arith.constant 384 : i32
    %dma_wait3A_145 = arith.constant 0 : i32
    %dma_wait3A_146 = tpu.memref_slice %arg9[%dma_wait3A_144, %dma_wait3A_145] : memref<512x16xf32, #tpu.memory_space<vmem>> -> memref<128x16xf32, #tpu.memory_space<vmem>>
    %dma_wait3A_147 = arith.constant 0 : i32
    %dma_wait3A_148 = tpu.memref_slice %arg7[%dma_wait3A_143, %dma_wait3A_147] : memref<4x128xi32, #tpu.memory_space<vmem>> -> memref<1x128xi32, #tpu.memory_space<vmem>>
    %dma_wait3A_149 = tpu.memref_squeeze %dma_wait3A_148 : memref<1x128xi32, #tpu.memory_space<vmem>> -> memref<128xi32, #tpu.memory_space<vmem>>
    %dma_wait3A_150 = arith.constant 0 : i32
    %dma_wait3A_151 = arith.constant 0 : i32
    %dma_wait3A_152 = tpu.memref_slice %arg4[%dma_wait3A_150, %dma_wait3A_151] : memref<1000000x16xf32, #tpu.memory_space<hbm>> -> memref<1000000x16xf32, #tpu.memory_space<hbm>>
    tpu.wait_indirect_dma semaphore(%arg12 : memref<!tpu.dma_semaphore, #tpu.memory_space<semaphore_mem>>) src(%dma_wait3A_152 : memref<1000000x16xf32, #tpu.memory_space<hbm>>) dst(%dma_wait3A_146 : memref<128x16xf32, #tpu.memory_space<vmem>>)
    %dma_wait3A_153 = arith.constant 3 : i32
    %dma_wait3A_154 = arith.constant 384 : i32
    %dma_wait3A_155 = arith.constant 0 : i32
    %dma_wait3A_156 = tpu.memref_slice %arg10[%dma_wait3A_154, %dma_wait3A_155] : memref<512x16xf32, #tpu.memory_space<vmem>> -> memref<128x16xf32, #tpu.memory_space<vmem>>
    %dma_wait3A_157 = arith.constant 0 : i32
    %dma_wait3A_158 = tpu.memref_slice %arg8[%dma_wait3A_153, %dma_wait3A_157] : memref<4x128xi32, #tpu.memory_space<vmem>> -> memref<1x128xi32, #tpu.memory_space<vmem>>
    %dma_wait3A_159 = tpu.memref_squeeze %dma_wait3A_158 : memref<1x128xi32, #tpu.memory_space<vmem>> -> memref<128xi32, #tpu.memory_space<vmem>>
    %dma_wait3A_160 = arith.constant 0 : i32
    %dma_wait3A_161 = arith.constant 0 : i32
    %dma_wait3A_162 = tpu.memref_slice %arg5[%dma_wait3A_160, %dma_wait3A_161] : memref<1000000x16xf32, #tpu.memory_space<hbm>> -> memref<1000000x16xf32, #tpu.memory_space<hbm>>
    tpu.wait_indirect_dma semaphore(%arg12 : memref<!tpu.dma_semaphore, #tpu.memory_space<semaphore_mem>>) src(%dma_wait3A_162 : memref<1000000x16xf32, #tpu.memory_space<hbm>>) dst(%dma_wait3A_156 : memref<128x16xf32, #tpu.memory_space<vmem>>)
    %iota3A = tpu.iota {dimensions = array<i32: 0>} : vector<16xi32>
    %scan3A = arith.constant 0 : i32
    %scan3A_163 = arith.constant 0 : i32
    %scan3A_164 = arith.constant 32 : i32
    %scan3A_165 = arith.addi %scan3A_163, %scan3A_164 : i32
    %scan3A_166 = arith.constant 1 : i32
    scf.for %scan3A_168 = %scan3A_163 to %scan3A_165 step %scan3A_166  : i32 {
      %mul3A_169 = arith.constant 16 : i32
      %mul3A_170 = arith.muli %scan3A_168, %mul3A_169 : i32
      %broadcast_in_dim3A = arith.constant 0.000000e+00 : f32
      %broadcast_in_dim3A_171 = vector.broadcast %broadcast_in_dim3A : f32 to vector<16xf32>
      %add3A_172 = arith.constant 0 : i32
      %add3A_173 = arith.addi %mul3A_170, %add3A_172 : i32
      %get3A = arith.index_cast %add3A_173 : i32 to index
      %get3A_174 = arith.constant 0 : index
      %get3A_175 = tpu.vector_load %arg9[%get3A, %get3A_174] {strides = array<i32>} : memref<512x16xf32, #tpu.memory_space<vmem>>, vector<16xf32>,
      %add3A_176 = arith.constant 0 : i32
      %add3A_177 = arith.addi %mul3A_170, %add3A_176 : i32
      %get3A_178 = arith.index_cast %add3A_177 : i32 to index
      %get3A_179 = arith.constant 0 : index
      %get3A_180 = tpu.vector_load %arg10[%get3A_178, %get3A_179] {strides = array<i32>} : memref<512x16xf32, #tpu.memory_space<vmem>>, vector<16xf32>,
      %mul3A_181 = arith.mulf %get3A_175, %get3A_180 : vector<16xf32>
      %reduce_sum3A = arith.constant true
      %reduce_sum3A_182 = vector.broadcast %reduce_sum3A : i1 to vector<16xi1>
      %reduce_sum3A_183 = tpu.scan <sum>, %mul3A_181 masked %reduce_sum3A_182 : vector<16xf32>, vector<16xi1> -> vector<16xf32>
      %reduce_sum3A_184 = vector.extract %reduce_sum3A_183[15] : f32 from vector<16xf32>
      %eq3A = arith.constant 0 : i32
      %eq3A_185 = vector.broadcast %eq3A : i32 to vector<16xi32>
      %eq3A_186 = arith.cmpi eq, %iota3A, %eq3A_185 : vector<16xi32>
      %broadcast_in_dim3A_187 = vector.broadcast %reduce_sum3A_184 : f32 to vector<16xf32>
      %select_n3A = arith.select %eq3A_186, %broadcast_in_dim3A_187, %broadcast_in_dim3A_171 : vector<16xi1>, vector<16xf32>
      %add3A_188 = arith.constant 1 : i32
      %add3A_189 = arith.addi %mul3A_170, %add3A_188 : i32
      %get3A_190 = arith.index_cast %add3A_189 : i32 to index
      %get3A_191 = arith.constant 0 : index
      %get3A_192 = tpu.vector_load %arg9[%get3A_190, %get3A_191] {strides = array<i32>} : memref<512x16xf32, #tpu.memory_space<vmem>>, vector<16xf32>,
      %add3A_193 = arith.constant 1 : i32
      %add3A_194 = arith.addi %mul3A_170, %add3A_193 : i32
      %get3A_195 = arith.index_cast %add3A_194 : i32 to index
      %get3A_196 = arith.constant 0 : index
      %get3A_197 = tpu.vector_load %arg10[%get3A_195, %get3A_196] {strides = array<i32>} : memref<512x16xf32, #tpu.memory_space<vmem>>, vector<16xf32>,
      %mul3A_198 = arith.mulf %get3A_192, %get3A_197 : vector<16xf32>
      %reduce_sum3A_199 = arith.constant true
      %reduce_sum3A_200 = vector.broadcast %reduce_sum3A_199 : i1 to vector<16xi1>
      %reduce_sum3A_201 = tpu.scan <sum>, %mul3A_198 masked %reduce_sum3A_200 : vector<16xf32>, vector<16xi1> -> vector<16xf32>
      %reduce_sum3A_202 = vector.extract %reduce_sum3A_201[15] : f32 from vector<16xf32>
      %eq3A_203 = arith.constant 1 : i32
      %eq3A_204 = vector.broadcast %eq3A_203 : i32 to vector<16xi32>
      %eq3A_205 = arith.cmpi eq, %iota3A, %eq3A_204 : vector<16xi32>
      %broadcast_in_dim3A_206 = vector.broadcast %reduce_sum3A_202 : f32 to vector<16xf32>
      %select_n3A_207 = arith.select %eq3A_205, %broadcast_in_dim3A_206, %select_n3A : vector<16xi1>, vector<16xf32>
      %add3A_208 = arith.constant 2 : i32
      %add3A_209 = arith.addi %mul3A_170, %add3A_208 : i32
      %get3A_210 = arith.index_cast %add3A_209 : i32 to index
      %get3A_211 = arith.constant 0 : index
      %get3A_212 = tpu.vector_load %arg9[%get3A_210, %get3A_211] {strides = array<i32>} : memref<512x16xf32, #tpu.memory_space<vmem>>, vector<16xf32>,
      %add3A_213 = arith.constant 2 : i32
      %add3A_214 = arith.addi %mul3A_170, %add3A_213 : i32
      %get3A_215 = arith.index_cast %add3A_214 : i32 to index
      %get3A_216 = arith.constant 0 : index
      %get3A_217 = tpu.vector_load %arg10[%get3A_215, %get3A_216] {strides = array<i32>} : memref<512x16xf32, #tpu.memory_space<vmem>>, vector<16xf32>,
      %mul3A_218 = arith.mulf %get3A_212, %get3A_217 : vector<16xf32>
      %reduce_sum3A_219 = arith.constant true
      %reduce_sum3A_220 = vector.broadcast %reduce_sum3A_219 : i1 to vector<16xi1>
      %reduce_sum3A_221 = tpu.scan <sum>, %mul3A_218 masked %reduce_sum3A_220 : vector<16xf32>, vector<16xi1> -> vector<16xf32>
      %reduce_sum3A_222 = vector.extract %reduce_sum3A_221[15] : f32 from vector<16xf32>
      %eq3A_223 = arith.constant 2 : i32
      %eq3A_224 = vector.broadcast %eq3A_223 : i32 to vector<16xi32>
      %eq3A_225 = arith.cmpi eq, %iota3A, %eq3A_224 : vector<16xi32>
      %broadcast_in_dim3A_226 = vector.broadcast %reduce_sum3A_222 : f32 to vector<16xf32>
      %select_n3A_227 = arith.select %eq3A_225, %broadcast_in_dim3A_226, %select_n3A_207 : vector<16xi1>, vector<16xf32>
      %add3A_228 = arith.constant 3 : i32
      %add3A_229 = arith.addi %mul3A_170, %add3A_228 : i32
      %get3A_230 = arith.index_cast %add3A_229 : i32 to index
      %get3A_231 = arith.constant 0 : index
      %get3A_232 = tpu.vector_load %arg9[%get3A_230, %get3A_231] {strides = array<i32>} : memref<512x16xf32, #tpu.memory_space<vmem>>, vector<16xf32>,
      %add3A_233 = arith.constant 3 : i32
      %add3A_234 = arith.addi %mul3A_170, %add3A_233 : i32
      %get3A_235 = arith.index_cast %add3A_234 : i32 to index
      %get3A_236 = arith.constant 0 : index
      %get3A_237 = tpu.vector_load %arg10[%get3A_235, %get3A_236] {strides = array<i32>} : memref<512x16xf32, #tpu.memory_space<vmem>>, vector<16xf32>,
      %mul3A_238 = arith.mulf %get3A_232, %get3A_237 : vector<16xf32>
      %reduce_sum3A_239 = arith.constant true
      %reduce_sum3A_240 = vector.broadcast %reduce_sum3A_239 : i1 to vector<16xi1>
      %reduce_sum3A_241 = tpu.scan <sum>, %mul3A_238 masked %reduce_sum3A_240 : vector<16xf32>, vector<16xi1> -> vector<16xf32>
      %reduce_sum3A_242 = vector.extract %reduce_sum3A_241[15] : f32 from vector<16xf32>
      %eq3A_243 = arith.constant 3 : i32
      %eq3A_244 = vector.broadcast %eq3A_243 : i32 to vector<16xi32>
      %eq3A_245 = arith.cmpi eq, %iota3A, %eq3A_244 : vector<16xi32>
      %broadcast_in_dim3A_246 = vector.broadcast %reduce_sum3A_242 : f32 to vector<16xf32>
      %select_n3A_247 = arith.select %eq3A_245, %broadcast_in_dim3A_246, %select_n3A_227 : vector<16xi1>, vector<16xf32>
      %add3A_248 = arith.constant 4 : i32
      %add3A_249 = arith.addi %mul3A_170, %add3A_248 : i32
      %get3A_250 = arith.index_cast %add3A_249 : i32 to index
      %get3A_251 = arith.constant 0 : index
      %get3A_252 = tpu.vector_load %arg9[%get3A_250, %get3A_251] {strides = array<i32>} : memref<512x16xf32, #tpu.memory_space<vmem>>, vector<16xf32>,
      %add3A_253 = arith.constant 4 : i32
      %add3A_254 = arith.addi %mul3A_170, %add3A_253 : i32
      %get3A_255 = arith.index_cast %add3A_254 : i32 to index
      %get3A_256 = arith.constant 0 : index
      %get3A_257 = tpu.vector_load %arg10[%get3A_255, %get3A_256] {strides = array<i32>} : memref<512x16xf32, #tpu.memory_space<vmem>>, vector<16xf32>,
      %mul3A_258 = arith.mulf %get3A_252, %get3A_257 : vector<16xf32>
      %reduce_sum3A_259 = arith.constant true
      %reduce_sum3A_260 = vector.broadcast %reduce_sum3A_259 : i1 to vector<16xi1>
      %reduce_sum3A_261 = tpu.scan <sum>, %mul3A_258 masked %reduce_sum3A_260 : vector<16xf32>, vector<16xi1> -> vector<16xf32>
      %reduce_sum3A_262 = vector.extract %reduce_sum3A_261[15] : f32 from vector<16xf32>
      %eq3A_263 = arith.constant 4 : i32
      %eq3A_264 = vector.broadcast %eq3A_263 : i32 to vector<16xi32>
      %eq3A_265 = arith.cmpi eq, %iota3A, %eq3A_264 : vector<16xi32>
      %broadcast_in_dim3A_266 = vector.broadcast %reduce_sum3A_262 : f32 to vector<16xf32>
      %select_n3A_267 = arith.select %eq3A_265, %broadcast_in_dim3A_266, %select_n3A_247 : vector<16xi1>, vector<16xf32>
      %add3A_268 = arith.constant 5 : i32
      %add3A_269 = arith.addi %mul3A_170, %add3A_268 : i32
      %get3A_270 = arith.index_cast %add3A_269 : i32 to index
      %get3A_271 = arith.constant 0 : index
      %get3A_272 = tpu.vector_load %arg9[%get3A_270, %get3A_271] {strides = array<i32>} : memref<512x16xf32, #tpu.memory_space<vmem>>, vector<16xf32>,
      %add3A_273 = arith.constant 5 : i32
      %add3A_274 = arith.addi %mul3A_170, %add3A_273 : i32
      %get3A_275 = arith.index_cast %add3A_274 : i32 to index
      %get3A_276 = arith.constant 0 : index
      %get3A_277 = tpu.vector_load %arg10[%get3A_275, %get3A_276] {strides = array<i32>} : memref<512x16xf32, #tpu.memory_space<vmem>>, vector<16xf32>,
      %mul3A_278 = arith.mulf %get3A_272, %get3A_277 : vector<16xf32>
      %reduce_sum3A_279 = arith.constant true
      %reduce_sum3A_280 = vector.broadcast %reduce_sum3A_279 : i1 to vector<16xi1>
      %reduce_sum3A_281 = tpu.scan <sum>, %mul3A_278 masked %reduce_sum3A_280 : vector<16xf32>, vector<16xi1> -> vector<16xf32>
      %reduce_sum3A_282 = vector.extract %reduce_sum3A_281[15] : f32 from vector<16xf32>
      %eq3A_283 = arith.constant 5 : i32
      %eq3A_284 = vector.broadcast %eq3A_283 : i32 to vector<16xi32>
      %eq3A_285 = arith.cmpi eq, %iota3A, %eq3A_284 : vector<16xi32>
      %broadcast_in_dim3A_286 = vector.broadcast %reduce_sum3A_282 : f32 to vector<16xf32>
      %select_n3A_287 = arith.select %eq3A_285, %broadcast_in_dim3A_286, %select_n3A_267 : vector<16xi1>, vector<16xf32>
      %add3A_288 = arith.constant 6 : i32
      %add3A_289 = arith.addi %mul3A_170, %add3A_288 : i32
      %get3A_290 = arith.index_cast %add3A_289 : i32 to index
      %get3A_291 = arith.constant 0 : index
      %get3A_292 = tpu.vector_load %arg9[%get3A_290, %get3A_291] {strides = array<i32>} : memref<512x16xf32, #tpu.memory_space<vmem>>, vector<16xf32>,
      %add3A_293 = arith.constant 6 : i32
      %add3A_294 = arith.addi %mul3A_170, %add3A_293 : i32
      %get3A_295 = arith.index_cast %add3A_294 : i32 to index
      %get3A_296 = arith.constant 0 : index
      %get3A_297 = tpu.vector_load %arg10[%get3A_295, %get3A_296] {strides = array<i32>} : memref<512x16xf32, #tpu.memory_space<vmem>>, vector<16xf32>,
      %mul3A_298 = arith.mulf %get3A_292, %get3A_297 : vector<16xf32>
      %reduce_sum3A_299 = arith.constant true
      %reduce_sum3A_300 = vector.broadcast %reduce_sum3A_299 : i1 to vector<16xi1>
      %reduce_sum3A_301 = tpu.scan <sum>, %mul3A_298 masked %reduce_sum3A_300 : vector<16xf32>, vector<16xi1> -> vector<16xf32>
      %reduce_sum3A_302 = vector.extract %reduce_sum3A_301[15] : f32 from vector<16xf32>
      %eq3A_303 = arith.constant 6 : i32
      %eq3A_304 = vector.broadcast %eq3A_303 : i32 to vector<16xi32>
      %eq3A_305 = arith.cmpi eq, %iota3A, %eq3A_304 : vector<16xi32>
      %broadcast_in_dim3A_306 = vector.broadcast %reduce_sum3A_302 : f32 to vector<16xf32>
      %select_n3A_307 = arith.select %eq3A_305, %broadcast_in_dim3A_306, %select_n3A_287 : vector<16xi1>, vector<16xf32>
      %add3A_308 = arith.constant 7 : i32
      %add3A_309 = arith.addi %mul3A_170, %add3A_308 : i32
      %get3A_310 = arith.index_cast %add3A_309 : i32 to index
      %get3A_311 = arith.constant 0 : index
      %get3A_312 = tpu.vector_load %arg9[%get3A_310, %get3A_311] {strides = array<i32>} : memref<512x16xf32, #tpu.memory_space<vmem>>, vector<16xf32>,
      %add3A_313 = arith.constant 7 : i32
      %add3A_314 = arith.addi %mul3A_170, %add3A_313 : i32
      %get3A_315 = arith.index_cast %add3A_314 : i32 to index
      %get3A_316 = arith.constant 0 : index
      %get3A_317 = tpu.vector_load %arg10[%get3A_315, %get3A_316] {strides = array<i32>} : memref<512x16xf32, #tpu.memory_space<vmem>>, vector<16xf32>,
      %mul3A_318 = arith.mulf %get3A_312, %get3A_317 : vector<16xf32>
      %reduce_sum3A_319 = arith.constant true
      %reduce_sum3A_320 = vector.broadcast %reduce_sum3A_319 : i1 to vector<16xi1>
      %reduce_sum3A_321 = tpu.scan <sum>, %mul3A_318 masked %reduce_sum3A_320 : vector<16xf32>, vector<16xi1> -> vector<16xf32>
      %reduce_sum3A_322 = vector.extract %reduce_sum3A_321[15] : f32 from vector<16xf32>
      %eq3A_323 = arith.constant 7 : i32
      %eq3A_324 = vector.broadcast %eq3A_323 : i32 to vector<16xi32>
      %eq3A_325 = arith.cmpi eq, %iota3A, %eq3A_324 : vector<16xi32>
      %broadcast_in_dim3A_326 = vector.broadcast %reduce_sum3A_322 : f32 to vector<16xf32>
      %select_n3A_327 = arith.select %eq3A_325, %broadcast_in_dim3A_326, %select_n3A_307 : vector<16xi1>, vector<16xf32>
      %add3A_328 = arith.constant 8 : i32
      %add3A_329 = arith.addi %mul3A_170, %add3A_328 : i32
      %get3A_330 = arith.index_cast %add3A_329 : i32 to index
      %get3A_331 = arith.constant 0 : index
      %get3A_332 = tpu.vector_load %arg9[%get3A_330, %get3A_331] {strides = array<i32>} : memref<512x16xf32, #tpu.memory_space<vmem>>, vector<16xf32>,
      %add3A_333 = arith.constant 8 : i32
      %add3A_334 = arith.addi %mul3A_170, %add3A_333 : i32
      %get3A_335 = arith.index_cast %add3A_334 : i32 to index
      %get3A_336 = arith.constant 0 : index
      %get3A_337 = tpu.vector_load %arg10[%get3A_335, %get3A_336] {strides = array<i32>} : memref<512x16xf32, #tpu.memory_space<vmem>>, vector<16xf32>,
      %mul3A_338 = arith.mulf %get3A_332, %get3A_337 : vector<16xf32>
      %reduce_sum3A_339 = arith.constant true
      %reduce_sum3A_340 = vector.broadcast %reduce_sum3A_339 : i1 to vector<16xi1>
      %reduce_sum3A_341 = tpu.scan <sum>, %mul3A_338 masked %reduce_sum3A_340 : vector<16xf32>, vector<16xi1> -> vector<16xf32>
      %reduce_sum3A_342 = vector.extract %reduce_sum3A_341[15] : f32 from vector<16xf32>
      %eq3A_343 = arith.constant 8 : i32
      %eq3A_344 = vector.broadcast %eq3A_343 : i32 to vector<16xi32>
      %eq3A_345 = arith.cmpi eq, %iota3A, %eq3A_344 : vector<16xi32>
      %broadcast_in_dim3A_346 = vector.broadcast %reduce_sum3A_342 : f32 to vector<16xf32>
      %select_n3A_347 = arith.select %eq3A_345, %broadcast_in_dim3A_346, %select_n3A_327 : vector<16xi1>, vector<16xf32>
      %add3A_348 = arith.constant 9 : i32
      %add3A_349 = arith.addi %mul3A_170, %add3A_348 : i32
      %get3A_350 = arith.index_cast %add3A_349 : i32 to index
      %get3A_351 = arith.constant 0 : index
      %get3A_352 = tpu.vector_load %arg9[%get3A_350, %get3A_351] {strides = array<i32>} : memref<512x16xf32, #tpu.memory_space<vmem>>, vector<16xf32>,
      %add3A_353 = arith.constant 9 : i32
      %add3A_354 = arith.addi %mul3A_170, %add3A_353 : i32
      %get3A_355 = arith.index_cast %add3A_354 : i32 to index
      %get3A_356 = arith.constant 0 : index
      %get3A_357 = tpu.vector_load %arg10[%get3A_355, %get3A_356] {strides = array<i32>} : memref<512x16xf32, #tpu.memory_space<vmem>>, vector<16xf32>,
      %mul3A_358 = arith.mulf %get3A_352, %get3A_357 : vector<16xf32>
      %reduce_sum3A_359 = arith.constant true
      %reduce_sum3A_360 = vector.broadcast %reduce_sum3A_359 : i1 to vector<16xi1>
      %reduce_sum3A_361 = tpu.scan <sum>, %mul3A_358 masked %reduce_sum3A_360 : vector<16xf32>, vector<16xi1> -> vector<16xf32>
      %reduce_sum3A_362 = vector.extract %reduce_sum3A_361[15] : f32 from vector<16xf32>
      %eq3A_363 = arith.constant 9 : i32
      %eq3A_364 = vector.broadcast %eq3A_363 : i32 to vector<16xi32>
      %eq3A_365 = arith.cmpi eq, %iota3A, %eq3A_364 : vector<16xi32>
      %broadcast_in_dim3A_366 = vector.broadcast %reduce_sum3A_362 : f32 to vector<16xf32>
      %select_n3A_367 = arith.select %eq3A_365, %broadcast_in_dim3A_366, %select_n3A_347 : vector<16xi1>, vector<16xf32>
      %add3A_368 = arith.constant 10 : i32
      %add3A_369 = arith.addi %mul3A_170, %add3A_368 : i32
      %get3A_370 = arith.index_cast %add3A_369 : i32 to index
      %get3A_371 = arith.constant 0 : index
      %get3A_372 = tpu.vector_load %arg9[%get3A_370, %get3A_371] {strides = array<i32>} : memref<512x16xf32, #tpu.memory_space<vmem>>, vector<16xf32>,
      %add3A_373 = arith.constant 10 : i32
      %add3A_374 = arith.addi %mul3A_170, %add3A_373 : i32
      %get3A_375 = arith.index_cast %add3A_374 : i32 to index
      %get3A_376 = arith.constant 0 : index
      %get3A_377 = tpu.vector_load %arg10[%get3A_375, %get3A_376] {strides = array<i32>} : memref<512x16xf32, #tpu.memory_space<vmem>>, vector<16xf32>,
      %mul3A_378 = arith.mulf %get3A_372, %get3A_377 : vector<16xf32>
      %reduce_sum3A_379 = arith.constant true
      %reduce_sum3A_380 = vector.broadcast %reduce_sum3A_379 : i1 to vector<16xi1>
      %reduce_sum3A_381 = tpu.scan <sum>, %mul3A_378 masked %reduce_sum3A_380 : vector<16xf32>, vector<16xi1> -> vector<16xf32>
      %reduce_sum3A_382 = vector.extract %reduce_sum3A_381[15] : f32 from vector<16xf32>
      %eq3A_383 = arith.constant 10 : i32
      %eq3A_384 = vector.broadcast %eq3A_383 : i32 to vector<16xi32>
      %eq3A_385 = arith.cmpi eq, %iota3A, %eq3A_384 : vector<16xi32>
      %broadcast_in_dim3A_386 = vector.broadcast %reduce_sum3A_382 : f32 to vector<16xf32>
      %select_n3A_387 = arith.select %eq3A_385, %broadcast_in_dim3A_386, %select_n3A_367 : vector<16xi1>, vector<16xf32>
      %add3A_388 = arith.constant 11 : i32
      %add3A_389 = arith.addi %mul3A_170, %add3A_388 : i32
      %get3A_390 = arith.index_cast %add3A_389 : i32 to index
      %get3A_391 = arith.constant 0 : index
      %get3A_392 = tpu.vector_load %arg9[%get3A_390, %get3A_391] {strides = array<i32>} : memref<512x16xf32, #tpu.memory_space<vmem>>, vector<16xf32>,
      %add3A_393 = arith.constant 11 : i32
      %add3A_394 = arith.addi %mul3A_170, %add3A_393 : i32
      %get3A_395 = arith.index_cast %add3A_394 : i32 to index
      %get3A_396 = arith.constant 0 : index
      %get3A_397 = tpu.vector_load %arg10[%get3A_395, %get3A_396] {strides = array<i32>} : memref<512x16xf32, #tpu.memory_space<vmem>>, vector<16xf32>,
      %mul3A_398 = arith.mulf %get3A_392, %get3A_397 : vector<16xf32>
      %reduce_sum3A_399 = arith.constant true
      %reduce_sum3A_400 = vector.broadcast %reduce_sum3A_399 : i1 to vector<16xi1>
      %reduce_sum3A_401 = tpu.scan <sum>, %mul3A_398 masked %reduce_sum3A_400 : vector<16xf32>, vector<16xi1> -> vector<16xf32>
      %reduce_sum3A_402 = vector.extract %reduce_sum3A_401[15] : f32 from vector<16xf32>
      %eq3A_403 = arith.constant 11 : i32
      %eq3A_404 = vector.broadcast %eq3A_403 : i32 to vector<16xi32>
      %eq3A_405 = arith.cmpi eq, %iota3A, %eq3A_404 : vector<16xi32>
      %broadcast_in_dim3A_406 = vector.broadcast %reduce_sum3A_402 : f32 to vector<16xf32>
      %select_n3A_407 = arith.select %eq3A_405, %broadcast_in_dim3A_406, %select_n3A_387 : vector<16xi1>, vector<16xf32>
      %add3A_408 = arith.constant 12 : i32
      %add3A_409 = arith.addi %mul3A_170, %add3A_408 : i32
      %get3A_410 = arith.index_cast %add3A_409 : i32 to index
      %get3A_411 = arith.constant 0 : index
      %get3A_412 = tpu.vector_load %arg9[%get3A_410, %get3A_411] {strides = array<i32>} : memref<512x16xf32, #tpu.memory_space<vmem>>, vector<16xf32>,
      %add3A_413 = arith.constant 12 : i32
      %add3A_414 = arith.addi %mul3A_170, %add3A_413 : i32
      %get3A_415 = arith.index_cast %add3A_414 : i32 to index
      %get3A_416 = arith.constant 0 : index
      %get3A_417 = tpu.vector_load %arg10[%get3A_415, %get3A_416] {strides = array<i32>} : memref<512x16xf32, #tpu.memory_space<vmem>>, vector<16xf32>,
      %mul3A_418 = arith.mulf %get3A_412, %get3A_417 : vector<16xf32>
      %reduce_sum3A_419 = arith.constant true
      %reduce_sum3A_420 = vector.broadcast %reduce_sum3A_419 : i1 to vector<16xi1>
      %reduce_sum3A_421 = tpu.scan <sum>, %mul3A_418 masked %reduce_sum3A_420 : vector<16xf32>, vector<16xi1> -> vector<16xf32>
      %reduce_sum3A_422 = vector.extract %reduce_sum3A_421[15] : f32 from vector<16xf32>
      %eq3A_423 = arith.constant 12 : i32
      %eq3A_424 = vector.broadcast %eq3A_423 : i32 to vector<16xi32>
      %eq3A_425 = arith.cmpi eq, %iota3A, %eq3A_424 : vector<16xi32>
      %broadcast_in_dim3A_426 = vector.broadcast %reduce_sum3A_422 : f32 to vector<16xf32>
      %select_n3A_427 = arith.select %eq3A_425, %broadcast_in_dim3A_426, %select_n3A_407 : vector<16xi1>, vector<16xf32>
      %add3A_428 = arith.constant 13 : i32
      %add3A_429 = arith.addi %mul3A_170, %add3A_428 : i32
      %get3A_430 = arith.index_cast %add3A_429 : i32 to index
      %get3A_431 = arith.constant 0 : index
      %get3A_432 = tpu.vector_load %arg9[%get3A_430, %get3A_431] {strides = array<i32>} : memref<512x16xf32, #tpu.memory_space<vmem>>, vector<16xf32>,
      %add3A_433 = arith.constant 13 : i32
      %add3A_434 = arith.addi %mul3A_170, %add3A_433 : i32
      %get3A_435 = arith.index_cast %add3A_434 : i32 to index
      %get3A_436 = arith.constant 0 : index
      %get3A_437 = tpu.vector_load %arg10[%get3A_435, %get3A_436] {strides = array<i32>} : memref<512x16xf32, #tpu.memory_space<vmem>>, vector<16xf32>,
      %mul3A_438 = arith.mulf %get3A_432, %get3A_437 : vector<16xf32>
      %reduce_sum3A_439 = arith.constant true
      %reduce_sum3A_440 = vector.broadcast %reduce_sum3A_439 : i1 to vector<16xi1>
      %reduce_sum3A_441 = tpu.scan <sum>, %mul3A_438 masked %reduce_sum3A_440 : vector<16xf32>, vector<16xi1> -> vector<16xf32>
      %reduce_sum3A_442 = vector.extract %reduce_sum3A_441[15] : f32 from vector<16xf32>
      %eq3A_443 = arith.constant 13 : i32
      %eq3A_444 = vector.broadcast %eq3A_443 : i32 to vector<16xi32>
      %eq3A_445 = arith.cmpi eq, %iota3A, %eq3A_444 : vector<16xi32>
      %broadcast_in_dim3A_446 = vector.broadcast %reduce_sum3A_442 : f32 to vector<16xf32>
      %select_n3A_447 = arith.select %eq3A_445, %broadcast_in_dim3A_446, %select_n3A_427 : vector<16xi1>, vector<16xf32>
      %add3A_448 = arith.constant 14 : i32
      %add3A_449 = arith.addi %mul3A_170, %add3A_448 : i32
      %get3A_450 = arith.index_cast %add3A_449 : i32 to index
      %get3A_451 = arith.constant 0 : index
      %get3A_452 = tpu.vector_load %arg9[%get3A_450, %get3A_451] {strides = array<i32>} : memref<512x16xf32, #tpu.memory_space<vmem>>, vector<16xf32>,
      %add3A_453 = arith.constant 14 : i32
      %add3A_454 = arith.addi %mul3A_170, %add3A_453 : i32
      %get3A_455 = arith.index_cast %add3A_454 : i32 to index
      %get3A_456 = arith.constant 0 : index
      %get3A_457 = tpu.vector_load %arg10[%get3A_455, %get3A_456] {strides = array<i32>} : memref<512x16xf32, #tpu.memory_space<vmem>>, vector<16xf32>,
      %mul3A_458 = arith.mulf %get3A_452, %get3A_457 : vector<16xf32>
      %reduce_sum3A_459 = arith.constant true
      %reduce_sum3A_460 = vector.broadcast %reduce_sum3A_459 : i1 to vector<16xi1>
      %reduce_sum3A_461 = tpu.scan <sum>, %mul3A_458 masked %reduce_sum3A_460 : vector<16xf32>, vector<16xi1> -> vector<16xf32>
      %reduce_sum3A_462 = vector.extract %reduce_sum3A_461[15] : f32 from vector<16xf32>
      %eq3A_463 = arith.constant 14 : i32
      %eq3A_464 = vector.broadcast %eq3A_463 : i32 to vector<16xi32>
      %eq3A_465 = arith.cmpi eq, %iota3A, %eq3A_464 : vector<16xi32>
      %broadcast_in_dim3A_466 = vector.broadcast %reduce_sum3A_462 : f32 to vector<16xf32>
      %select_n3A_467 = arith.select %eq3A_465, %broadcast_in_dim3A_466, %select_n3A_447 : vector<16xi1>, vector<16xf32>
      %add3A_468 = arith.constant 15 : i32
      %add3A_469 = arith.addi %mul3A_170, %add3A_468 : i32
      %get3A_470 = arith.index_cast %add3A_469 : i32 to index
      %get3A_471 = arith.constant 0 : index
      %get3A_472 = tpu.vector_load %arg9[%get3A_470, %get3A_471] {strides = array<i32>} : memref<512x16xf32, #tpu.memory_space<vmem>>, vector<16xf32>,
      %add3A_473 = arith.constant 15 : i32
      %add3A_474 = arith.addi %mul3A_170, %add3A_473 : i32
      %get3A_475 = arith.index_cast %add3A_474 : i32 to index
      %get3A_476 = arith.constant 0 : index
      %get3A_477 = tpu.vector_load %arg10[%get3A_475, %get3A_476] {strides = array<i32>} : memref<512x16xf32, #tpu.memory_space<vmem>>, vector<16xf32>,
      %mul3A_478 = arith.mulf %get3A_472, %get3A_477 : vector<16xf32>
      %reduce_sum3A_479 = arith.constant true
      %reduce_sum3A_480 = vector.broadcast %reduce_sum3A_479 : i1 to vector<16xi1>
      %reduce_sum3A_481 = tpu.scan <sum>, %mul3A_478 masked %reduce_sum3A_480 : vector<16xf32>, vector<16xi1> -> vector<16xf32>
      %reduce_sum3A_482 = vector.extract %reduce_sum3A_481[15] : f32 from vector<16xf32>
      %eq3A_483 = arith.constant 15 : i32
      %eq3A_484 = vector.broadcast %eq3A_483 : i32 to vector<16xi32>
      %eq3A_485 = arith.cmpi eq, %iota3A, %eq3A_484 : vector<16xi32>
      %broadcast_in_dim3A_486 = vector.broadcast %reduce_sum3A_482 : f32 to vector<16xf32>
      %select_n3A_487 = arith.select %eq3A_485, %broadcast_in_dim3A_486, %select_n3A_467 : vector<16xi1>, vector<16xf32>
      %max3A = arith.constant 0.000000e+00 : f32
      %max3A_488 = vector.broadcast %max3A : f32 to vector<16xf32>
      %max3A_489 = arith.maximumf %select_n3A_487, %max3A_488 : vector<16xf32>
      %swap3A = arith.index_cast %mul3A_170 : i32 to index
      %swap3A_490 = tpu.vector_load %arg11[%swap3A] {strides = array<i32>} : memref<512xf32, #tpu.memory_space<vmem>>, vector<16xf32>,
      tpu.vector_store %arg11[%swap3A], %max3A_489 {strides = array<i32>} : memref<512xf32, #tpu.memory_space<vmem>>, vector<16xf32>,
    }
    %scan3A_167 = arith.constant 32 : i32
    "tpu.region"() ({
      %run_scoped3A = tpu.sem_alloc : memref<!tpu.dma_semaphore, #tpu.memory_space<semaphore_mem>>
      %dma_start3A_168 = tpu.memref_slice %arg6[%mul3A_4] : memref<16384xf32, #tpu.memory_space<hbm>> -> memref<512xf32, #tpu.memory_space<hbm>>
      %dma_start3A_169 = tpu.memref_slice %arg6[%mul3A_4] : memref<16384xf32, #tpu.memory_space<hbm>> -> memref<512xf32, #tpu.memory_space<hbm>>
      tpu.enqueue_dma source(%arg11 : memref<512xf32, #tpu.memory_space<vmem>>) target(%dma_start3A_169 : memref<512xf32, #tpu.memory_space<hbm>>) target_semaphore(%run_scoped3A : memref<!tpu.dma_semaphore, #tpu.memory_space<semaphore_mem>>)
      %dma_wait3A_170 = tpu.memref_slice %arg6[%mul3A_4] : memref<16384xf32, #tpu.memory_space<hbm>> -> memref<512xf32, #tpu.memory_space<hbm>>
      %dma_wait3A_171 = tpu.memref_slice %arg6[%mul3A_4] : memref<16384xf32, #tpu.memory_space<hbm>> -> memref<512xf32, #tpu.memory_space<hbm>>
      tpu.wait_dma2 semaphore(%run_scoped3A : memref<!tpu.dma_semaphore, #tpu.memory_space<semaphore_mem>>) src(%arg11 : memref<512xf32, #tpu.memory_space<vmem>>) dst(%dma_wait3A_171 : memref<512xf32, #tpu.memory_space<hbm>>)
      tpu.yield
    }) : () -> ()
    return
  }
}

</mosaic_0001>

<sc_bundles>
// kernel: kernel.3.cloned.1.call-start
scs
__scs_entry_jumppad:
0x0: {  	(pc) =	sbr.rel $0x88, $3  }
0x1: {  	(tag) =	ssettag $0x0;
	lr =	simm.s32 $0x1  }
0x2: {  	[smem:$0x3F9D] =	sst lr;
	_ =	strace $0xD0000000  }
0x3: {  	_ = 	snop  }
0x4: {  	_ = 	snop  }
0x5: {  	_ = 	snop  }
0x6: {  	_ = 	snop  }
0x7: {  	_ = 	snop  }
__scs_overlays_trampoline_lowered:
0x8: {  	[smem:$0x3FAC] =	sst s0  }
0x9: {  	[smem:$0x3FAD] =	sst s1  }
0xa: {  	[smem:$0x3FAE] =	sst s2  }
0xb: {  	[smem:$0x3FAF] =	sst s3  }
0xc: {  	[smem:$0x3FB0] =	sst s4  }
0xd: {  	[smem:$0x3FB1] =	sst s5  }
0xe: {  	[smem:$0x3FB2] =	sst s6  }
0xf: {  	[smem:$0x3FB3] =	sst s7  }
0x10: {  	[smem:$0x3FB4] =	sst s8  }
0x11: {  	[smem:$0x3FB5] =	sst s9;
	s0 =	simm.s32 @!p0 $0x0  }
0x12: {  	s1 =	sld [smem:$0x3F9B];
	s0 =	simm.s32 @p0 $0x1  }
0x13: {  	[smem:$0x3FB6] =	sst s0;
	s0 =	simm.s32 @!p1 $0x0  }
0x14: {  	s2 =	sld [smem:$0x3F9A];
	s0 =	simm.s32 @p1 $0x1  }
0x15: {  	[smem:$0x3FB7] =	sst s0;
	s0 =	simm.s32 @!p2 $0x0  }
0x16: {  	s3 =	sld [smem:$0x3FDB];
	s0 =	simm.s32 @p2 $0x1  }
0x17: {  	s4 =	simm.s32 $0x1BF5;
	[smem:$0x3FB9] =	sst s0  }
0x18: {  	s0 =	sld [smem:$0x3F9C];
	_ =	swait.ge [sflag:s4], $0x0  }
0x19: {  	s7 =	sld [smem:$0x3F9D]  }
0x1a: {  	s8 =	sadd.s32 $0xFFFFE003, lr  }
0x1b: {  	s9 =	sadd.s32 $0xFFFFFEF7, lr;
	s5 =	simm.s32 $0xFFFFFFFF;
	p2 =	slt.u32 s8, $0xFFFFF086  }
0x1c: {  	p1 =	slt.u32 s9, $0xF7A;
	s5 =	simm.s32 @!p2 $0x0  }
0x1d: {  	s5 =	simm.s32 @p1 $0x1;
	p0 =	seq.s32 s7, s2  }
0x1e: {  	s7 =	smul.u32 @!p0 $0xF7A, s2;
	p2 =	seq.s32 @!p0 s5, $0x0  }
0x1f: {  	s9 =	smul.u32 $0xF7A, s1;
	s8 =	simm.s32 @!p0 $0x1BF5;
	p2 =	por !p2, p0  }
0x20: {  	[sflag:s8] =	ssyncset.s32 @!p0 $0xFFFFF086;
	s6 =	sadd.s32 @!p0 s3, s7;
	s7 =	simm.s32 @!p0 $0x108  }
0x21: {  	s3 =	sadd.s32 s3, s9;
	s6 =	sadd.s32 @!p0 $0x88, s6;
	s7 =	simm.s32 @p2 $0x1082  }
0x22: {  	[simem:s7], [sflag:s8] =	dma.local @!p0 [hbm:s6], $0xF7A  }
0x23: {  	s9 =	sor.u32 $0xD0000000, s2;
	s6 =	simm.s32 $0x108;
	_ =	swait.ge @!p0 [sflag:s8], $0x0  }
0x24: {  	s3 =	sadd.s32 $0x88, s3;
	s6 =	simm.s32 @!p1 $0x1082;
	[sflag:s4] =	ssyncset.s32 $0xFFFFF086  }
0x25: {  	[simem:s6], [sflag:s4] =	dma.local [hbm:s3], $0xF7A  }
0x26: {  	[smem:$0x3F9D] =	sst s1;
	(tag) =	ssettag s2;
	_ =	strace s9  }
0x27: {  	s1 =	sld [smem:$0x3FAD]  }
0x28: {  	s2 =	sld [smem:$0x3FAE]  }
0x29: {  	s4 =	sld [smem:$0x3FB0]  }
0x2a: {  	p0 =	seq.s32 s5, $0x0;
	s5 =	sld [smem:$0x3FB1]  }
0x2b: {  	s6 =	sld [smem:$0x3FB2]  }
0x2c: {  	s7 =	sld [smem:$0x3FB3]  }
0x2d: {  	s3 =	simm.s32 $0x108;
	s8 =	sld [smem:$0x3FB4]  }
0x2e: {  	s3 =	simm.s32 @!p0 $0x1082;
	s9 =	sld [smem:$0x3FB5]  }
0x2f: {  	lr =	sadd.s32 s0, s3;
	s0 =	sld [smem:$0x3FAC]  }
0x30: {  	s3 =	sld [smem:$0x3FAF]  }
0x31: {  	[smem:$0x3FB8] =	sst s10  }
0x32: {  	s10 =	sld [smem:$0x3FB6];
	_ =	sdelay $0x3  }
0x33: {  	p0 =	seq.s32 s10, $0x1;
	s10 =	sld [smem:$0x3FB8];
	_ =	sdelay $0x3  }
0x34: {  	[smem:$0x3FB8] =	sst s10  }
0x35: {  	s10 =	sld [smem:$0x3FB7];
	_ =	sdelay $0x3  }
0x36: {  	p1 =	seq.s32 s10, $0x1;
	s10 =	sld [smem:$0x3FB8];
	_ =	sdelay $0x3  }
0x37: {  	[smem:$0x3FB8] =	sst s10  }
0x38: {  	s10 =	sld [smem:$0x3FB9]  }
0x39: {  	_ = 	snop;
	(pc) =	sbr.ind lr, $3  }
0x3a: {  	_ = 	snop  }
0x3b: {  	_ = 	snop  }
0x3c: {  	p2 =	seq.s32 s10, $0x1;
	s10 =	sld [smem:$0x3FB8]  }
0x3d: {  	_ =	shalt  }
0x3e: {  	_ =	shalt  }
0x3f: {  	_ =	shalt  }
0x40: {  	_ =	shalt  }
0x41: {  	_ =	shalt  }
0x42: {  	_ =	shalt  }
0x43: {  	_ =	shalt  }
0x44: {  	_ =	shalt  }
0x45: {  	_ =	shalt  }
0x46: {  	_ =	shalt  }
0x47: {  	_ =	shalt  }
0x48: {  	_ =	shalt  }
0x49: {  	_ =	shalt  }
0x4a: {  	_ =	shalt  }
0x4b: {  	_ =	shalt  }
0x4c: {  	_ =	shalt  }
0x4d: {  	_ =	shalt  }
0x4e: {  	_ =	shalt  }
0x4f: {  	_ =	shalt  }
0x50: {  	_ =	shalt  }
0x51: {  	_ =	shalt  }
0x52: {  	_ =	shalt  }
0x53: {  	_ =	shalt  }
0x54: {  	_ =	shalt  }
0x55: {  	_ =	shalt  }
0x56: {  	_ =	shalt  }
0x57: {  	_ =	shalt  }
0x58: {  	_ =	shalt  }
0x59: {  	_ =	shalt  }
0x5a: {  	_ =	shalt  }
0x5b: {  	_ =	shalt  }
0x5c: {  	_ =	shalt  }
0x5d: {  	_ =	shalt  }
0x5e: {  	_ =	shalt  }
0x5f: {  	_ =	shalt  }
0x60: {  	_ =	shalt  }
0x61: {  	_ =	shalt  }
0x62: {  	_ =	shalt  }
0x63: {  	_ =	shalt  }
0x64: {  	_ =	shalt  }
0x65: {  	_ =	shalt  }
0x66: {  	_ =	shalt  }
0x67: {  	_ =	shalt  }
0x68: {  	_ =	shalt  }
0x69: {  	_ =	shalt  }
0x6a: {  	_ =	shalt  }
0x6b: {  	_ =	shalt  }
0x6c: {  	_ =	shalt  }
0x6d: {  	_ =	shalt  }
0x6e: {  	_ =	shalt  }
0x6f: {  	_ =	shalt  }
0x70: {  	_ =	shalt  }
0x71: {  	_ =	shalt  }
0x72: {  	_ =	shalt  }
0x73: {  	_ =	shalt  }
0x74: {  	_ =	shalt  }
0x75: {  	_ =	shalt  }
0x76: {  	_ =	shalt  }
0x77: {  	_ =	shalt  }
0x78: {  	_ =	shalt  }
0x79: {  	_ =	shalt  }
0x7a: {  	_ =	shalt  }
0x7b: {  	_ =	shalt  }
0x7c: {  	_ =	shalt  }
0x7d: {  	_ =	shalt  }
0x7e: {  	_ =	shalt  }
0x7f: {  	_ =	shalt  }
0x80: {  	_ =	shalt  }
0x81: {  	_ =	shalt  }
0x82: {  	_ =	shalt  }
0x83: {  	_ =	shalt  }
0x84: {  	_ =	shalt  }
0x85: {  	_ =	shalt  }
0x86: {  	_ =	shalt  }
0x87: {  	_ =	shalt  }
.Lfunc_end0:
.L_simem_size_0:
called_computation_lowered:
.L_overlay_start_0:
0x88: {  	s2 =	sld [smem:$0x3FD9]  }
0x89: {  	s3 =	sld [smem:$0x3FFE];
	_ =	sdelay $0x1  }
0x8a: {  	s1 =	srdreg.scid  }
0x8b: {  	s0 =	sand.u32 $0x1, s1  }
0x8c: {  	s17 =	sshll.u32 s0, $0xA;
	s2 =	sadd.s32 s3, s2  }
0x8d: {  	s2 =	sadd.s32 s2, s17  }
0x8e: {  	[smem:$0x3FC4] =	sst s2  }
0x8f: {  	_ = 	snop  }
0x90: {  	s2 =	sld [smem:$0x3FC9]  }
0x91: {  	s18 =	sld [smem:$0x3FC8]  }
0x92: {  	s4 =	sld [smem:$0x3FD0];
	(tm) =	ssettm $0x1  }
0x93: {  	s5 =	sld [smem:$0x3FFB];
	_ =	sdelay $0x3  }
0x94: {  	_ =	strace s5  }
0x95: {  	s5 =	sld [smem:$0x3FFC];
	_ =	sdelay $0x3  }
0x96: {  	_ =	strace s5  }
0x97: {  	s5 =	sld [smem:$0x3FFD];
	_ =	sdelay $0x3  }
0x98: {  	_ =	strace s5  }
0x99: {  	_ =	strace $0x8FFFFFFF  }
0x9a: {  	s19 =	sld [smem:$0x3FDB];
	_ =	sdelay $0x1  }
0x9b: {  	s6 =	simm.s32 $_scs_section_size  }
0x9c: {  	s7 =	simm.s32 $_size__tile_overlayer_lowered;
	s8 =	simm.s32 $_tile_overlayer_lowered  }
0x9d: {  	s22 =	simm.s32 $0x1BFF;
	s21 =	sshll.u32 s8, $0x1;
	s5 =	sadd.s32 s6, s19  }
0x9e: {  	s9 =	simm.s32 $0x0;
	s20 =	sshll.u32 s7, $0x1;
	s7 =	sadd.s32 s21, s5  }
0x9f: {  	[timem:s9], [sflag:s22] =	dma.local [hbm:s7], s20  }
0xa0: {  	_ =	swait.ge [sflag:s22], s20  }
0xa1: {  	s6 =	ssub.s32 $0x0, s20;
	[sflag:s22] =	ssyncset.done $0x0  }
0xa2: {  	[sflag:s22] =	ssyncadd.s32 s6;
	_ =	sdelay $0x1  }
0xa3: {  	s23 =	simm.s32 $0x1B8B  }
0xa4: {  	_ =	swait.ge [sflag:s23], $0x1  }
0xa5: {  	[sflag:s23] =	ssyncset.done $0x0  }
0xa6: {  	s25 =	simm.s32 $0x1B8E;
	s24 =	sld [smem:$0x3FFE];
	[sflag:s23] =	ssyncadd.s32 $0xFFFFFFFF  }
0xa7: {  	s26 =	simm.s32 $execute0_lowered;
	[smem:$0x3FD2] =	sst s25  }
0xa8: {  	s7 =	sshll.u32 s26, $0x1;
	_ =	strace $0x80000046;
	[dreg:$0x1] =	wrdreg $0xFFFFFFFF  }
0xa9: {  	s28 =	simm.s32 $_size_execute0_lowered;
	s5 =	sadd.s32 s5, s7;
	[dreg:$0x0] =	wrdreg $0x0  }
0xaa: {  	s7 =	sshll.u32 s28, $0x1;
	[dreg:$0x2] =	wrdreg s5  }
0xab: {  	[dreg:$0x3] =	wrdreg s7  }
0xac: {  	[dreg:$0x4] =	wrdreg $0xC0  }
0xad: {  	_ =	task [dreg:s9], $0x5FFFF  }
0xae: {  	[dreg:$0x1] =	wrdreg $0xFFFFFFFF  }
0xaf: {  	[dreg:$0x0] =	wrdreg $0x60  }
0xb0: {  	[dreg:$0x2] =	wrdreg s2  }
0xb1: {  	[dreg:$0x3] =	wrdreg s18  }
0xb2: {  	[dreg:$0x4] =	wrdreg s24  }
0xb3: {  	[dreg:$0x5] =	wrdreg s4  }
0xb4: {  	[dreg:$0x6] =	wrdreg $0x9  }
0xb5: {  	_ =	task.clear_ibuf [dreg:s9], $0x7FFFF;
	_ =	strace $0x90000046  }
0xb6: {  	s29 =	simm.s32 $0x9;
	_ =	strace $0x80000048  }
0xb7: {  	_ =	swait.ge [sflag:s29], $0x1  }
0xb8: {  	[sflag:s29] =	ssyncadd.s32 $0xFFFFFFFF  }
0xb9: {  	_ =	strace $0x90000048  }
0xba: {  	_ =	sfence  }
0xbb: {  	s30 =	sld [smem:$0x0];
	_ =	sdelay $0x2  }
0xbc: {  	s31 =	sshll.u32 s1, $0xD;
	s1 =	sshrl.u32 s1, $0x2  }
0xbd: {  	s3 =	sand.u32 $0x4000, s31;
	s1 =	sadd.s32 s1, s30  }
0xbe: {  	s0 =	sor.u32 s3, s0;
	s1 =	sshll.u32 s1, $0x11  }
0xbf: {  	s0 =	sor.u32 s1, s0  }
0xc0: {  	s0 =	sadd.s32 $0x8F2B, s0  }
0xc1: {  	[sflag:s0] =	ssyncadd.remote.s32 $0x1  }
0xc2: {  	_ =	sfence.sel $0xFFFF  }
0xc3: {  	[dreg:$0x0] =	wrdreg $0xFFFFFFFF;
	(pc) =	sbr.abs _section_cstart, $3  }
0xc4: {  	[dreg:$0x1] =	wrdreg $0xFFFFFFFF  }
0xc5: {  	_ =	task.clear_ibuf [dreg:s9], $0x2FFFF;
	_ =	strace $0x9FFFFFFF  }
0xc6: {  	(tm) =	ssettm $0x7FFFFFFF  }
0xc7: {  	_ =	shalt  }
tec
execute0_lowered:
.L_overlay_start_1:
0x0: {  	(tag) =	ssettag $0x1  }
0x1: {  	s5 =	rddreg [dreg:$0x0]  }
0x2: {  	s6 =	rddreg [dreg:$0x1]  }
0x3: {  	s4 =	rddreg [dreg:$0x2]  }
0x4: {  	s7 =	rddreg [dreg:$0x3]  }
0x5: {  	s0 =	rddreg [dreg:$0x4];
	s1 =	simm.s32 $0x0  }
0x6: {  	s8 =	srdreg.scid;
	s2 =	stileid.u32;
	s12 =	simm.s32 $0x400  }
0x7: {  	s13 =	simm.s32 $0x2400;
	s14 =	simm.s32 $0xC00;
	s15 =	simm.s32 $0x280  }
0x8: {  	s16 =	simm.s32 $0x2C00;
	s17 =	simm.s32 $0x100;
	s18 =	simm.s32 $0x1400  }
0x9: {  	s19 =	simm.s32 $0x300;
	s20 =	simm.s32 $0x3400;
	s21 =	simm.s32 $0x180  }
0xa: {  	s22 =	simm.s32 $0x1C00;
	s23 =	simm.s32 $0x380;
	s24 =	simm.s32 $0x3C00  }
0xb: {  	s25 =	simm.s32 $0x1;
	s26 =	simm.s32 $0x4400;
	s28 =	simm.s32 $0x0  }
0xc: {  	[smem:$0x7FF] =	sst s1;
	s3 =	sadd.s32 $0xF42800, s4;
	s8 =	sand.u32 $0x1, s8  }
0xd: {  	vm0 =	vmmov $0x1;
	vm1 =	vmmov $0x3;
	vm2 =	vmmov $0x7;
	s10 =	sshll.u32 s2, $0x7;
	s4 =	sadd.s32 $0x112AE00, s4;
	s9 =	ssub.s32 $0x2, s8  }
0xe: {  	vm3 =	vmmov $0xf;
	vm4 =	vmmov $0x1f;
	vm5 =	vmmov $0x3f;
	_ =	strace $0x80000047;
	s8 =	sshll.u32 s8, $0x6;
	s11 =	sshrl.u32 s9, $0x1  }
0xf: {  	vm6 =	vmmov $0x7f;
	vm7 =	vmmov $0xff;
	vm8 =	vmmov $0x1ff;
	s8 =	sor.u32 s8, s10;
	s10 =	simm.s32 $0x200;
	s9 =	ssub.s32 s9, s11  }
0x10: {  	vm9 =	vmmov $0x3ff;
	vm10 =	vmmov $0x7ff;
	vm11 =	vmmov $0xfff;
	s5 =	sadd.s32 s5, s8;
	s6 =	sadd.s32 s6, s8;
	s7 =	sadd.s32 s7, s8  }
0x11: {  	vm12 =	vmmov $0x1fff;
	vm13 =	vmmov $0x3fff;
	vm14 =	vmmov $0x7fff;
	s11 =	simm.s32 $0x80;
	s8 =	smax.u32 s9, $0x1;
	s9 =	simm.s32 $0x2  }
.LBB2_1:
0x12: {  	[tilespmem:s1], [sflag:$0x2] =	stream.linear.gather [hbm4b:s5+s1], $0x200, $0x38;
	[tilespmem:$0x4600] =	vst v63  }
0x13: {  	_ =	swait.ge [sflag:s9], $0x200  }
0x14: {  	[sflag:s9] =	ssyncset.done $0x0  }
0x15: {  	[sflag:s9] =	ssyncadd.s32 $0xFFFFFE00  }
0x16: {  	[tilespmem:s10], [sflag:$0x2] =	stream.linear.gather [hbm4b:s6+s1], $0x200, $0x38;
	[tilespmem:$0x4600] =	vst v63  }
0x17: {  	_ =	swait.ge [sflag:s9], $0x200  }
0x18: {  	[sflag:s9] =	ssyncset.done $0x0  }
0x19: {  	[sflag:s9] =	ssyncadd.s32 $0xFFFFFE00  }
0x1a: {  	[tilespmem:s12], [sflag:$0x1] =	stream.indirect.gather [hbm4b:s3+s11], $0x10, s1, s11, $0xb8;
	[tilespmem:$0x4600] =	vst v63  }
0x1b: {  	_ = 	snop  }
0x1c: {  	[tilespmem:s13], [sflag:$0x1] =	stream.indirect.gather [hbm4b:s4+s11], $0x10, s10, s11, $0xb8;
	[tilespmem:$0x4600] =	vst v63  }
0x1d: {  	_ = 	snop  }
0x1e: {  	[tilespmem:s14], [sflag:$0x1] =	stream.indirect.gather [hbm4b:s3+s11], $0x10, s11, s11, $0xb8;
	[tilespmem:$0x4600] =	vst v63  }
0x1f: {  	_ = 	snop  }
0x20: {  	[tilespmem:s16], [sflag:$0x1] =	stream.indirect.gather [hbm4b:s4+s11], $0x10, s15, s11, $0xb8;
	[tilespmem:$0x4600] =	vst v63  }
0x21: {  	_ = 	snop  }
0x22: {  	[tilespmem:s18], [sflag:$0x1] =	stream.indirect.gather [hbm4b:s3+s11], $0x10, s17, s11, $0xb8;
	[tilespmem:$0x4600] =	vst v63  }
0x23: {  	_ = 	snop  }
0x24: {  	[tilespmem:s20], [sflag:$0x1] =	stream.indirect.gather [hbm4b:s4+s11], $0x10, s19, s11, $0xb8;
	[tilespmem:$0x4600] =	vst v63  }
0x25: {  	_ = 	snop  }
0x26: {  	[tilespmem:s22], [sflag:$0x1] =	stream.indirect.gather [hbm4b:s3+s11], $0x10, s21, s11, $0xb8;
	[tilespmem:$0x4600] =	vst v63  }
0x27: {  	_ = 	snop  }
0x28: {  	[tilespmem:s24], [sflag:$0x1] =	stream.indirect.gather [hbm4b:s4+s11], $0x10, s23, s11, $0xb8;
	[tilespmem:$0x4600] =	vst v63  }
0x29: {  	_ =	swait.ge [sflag:s25], $0x800  }
0x2a: {  	[sflag:s25] =	ssyncset.done $0x0  }
0x2b: {  	[sflag:s25] =	ssyncadd.s32 $0xFFFFF800  }
0x2c: {  	_ =	swait.ge [sflag:s25], $0x800  }
0x2d: {  	[sflag:s25] =	ssyncset.done $0x0  }
0x2e: {  	[sflag:s25] =	ssyncadd.s32 $0xFFFFF800  }
0x2f: {  	_ =	swait.ge [sflag:s25], $0x800  }
0x30: {  	[sflag:s25] =	ssyncset.done $0x0  }
0x31: {  	[sflag:s25] =	ssyncadd.s32 $0xFFFFF800  }
0x32: {  	_ =	swait.ge [sflag:s25], $0x800  }
0x33: {  	[sflag:s25] =	ssyncset.done $0x0  }
0x34: {  	[sflag:s25] =	ssyncadd.s32 $0xFFFFF800  }
0x35: {  	_ =	swait.ge [sflag:s25], $0x800  }
0x36: {  	[sflag:s25] =	ssyncset.done $0x0  }
0x37: {  	[sflag:s25] =	ssyncadd.s32 $0xFFFFF800  }
0x38: {  	_ =	swait.ge [sflag:s25], $0x800  }
0x39: {  	[sflag:s25] =	ssyncset.done $0x0  }
0x3a: {  	[sflag:s25] =	ssyncadd.s32 $0xFFFFF800  }
0x3b: {  	_ =	swait.ge [sflag:s25], $0x800  }
0x3c: {  	[sflag:s25] =	ssyncset.done $0x0  }
0x3d: {  	[sflag:s25] =	ssyncadd.s32 $0xFFFFF800  }
0x3e: {  	_ =	swait.ge [sflag:s25], $0x800  }
0x3f: {  	[sflag:s25] =	ssyncset.done $0x0  }
0x40: {  	s29 =	simm.s32 $0x4400;
	s30 =	simm.s32 $0x0;
	[sflag:s25] =	ssyncadd.s32 $0xFFFFF800  }
.LBB2_2:
0x41: {  	s31 =	sshra.s32 s30, $0x2  }
0x42: {  	v0 =	vld [tilespmem:s31+$0x400]  }
0x43: {  	v1 =	vld [tilespmem:s31+$0x2400]  }
0x44: {  	v2 =	vld [tilespmem:s31+$0x410]  }
0x45: {  	v3 =	vld [tilespmem:s31+$0x2410]  }
0x46: {  	v4 =	vld [tilespmem:s31+$0x420]  }
0x47: {  	v5 =	vld [tilespmem:s31+$0x2420]  }
0x48: {  	v6 =	vld [tilespmem:s31+$0x430]  }
0x49: {  	v7 =	vld [tilespmem:s31+$0x2430]  }
0x4a: {  	v8 =	vld [tilespmem:s31+$0x440]  }
0x4b: {  	v9 =	vld [tilespmem:s31+$0x2440]  }
0x4c: {  	v10 =	vld [tilespmem:s31+$0x450]  }
0x4d: {  	v11 =	vld [tilespmem:s31+$0x2450]  }
0x4e: {  	v12 =	vld [tilespmem:s31+$0x460]  }
0x4f: {  	v13 =	vld [tilespmem:s31+$0x2460]  }
0x50: {  	v14 =	vld [tilespmem:s31+$0x470]  }
0x51: {  	v15 =	vld [tilespmem:s31+$0x2470]  }
0x52: {  	v16 =	vld [tilespmem:s31+$0x480]  }
0x53: {  	v17 =	vld [tilespmem:s31+$0x2480]  }
0x54: {  	v18 =	vld [tilespmem:s31+$0x490]  }
0x55: {  	v19 =	vld [tilespmem:s31+$0x2490]  }
0x56: {  	v54 =	vld [tilespmem:s31+$0x4A0]  }
0x57: {  	v55 =	vld [tilespmem:s31+$0x24A0];
	v0 =	vmul.f32 v1, v0  }
0x58: {  	v57 =	vld [tilespmem:s31+$0x4B0];
	v2 =	vmul.f32 v3, v2  }
0x59: {  	v59 =	vld [tilespmem:s31+$0x24B0];
	v56 =	vmul.f32 v5, v4;
	(xrf2) =	vadd.scan.msk.f32 $0xffff, v0  }
0x5a: {  	v61 =	vld [tilespmem:s31+$0x4C0];
	v58 =	vmul.f32 v7, v6;
	(xrf2) =	vadd.scan.msk.f32 $0xffff, v2  }
0x5b: {  	v63 =	vld [tilespmem:s31+$0x24C0];
	v60 =	vmul.f32 v9, v8;
	(xrf2) =	vadd.scan.msk.f32 $0xffff, v56  }
0x5c: {  	v20 =	vld [tilespmem:s31+$0x4D0];
	v62 =	vmul.f32 v11, v10;
	(xrf2) =	vadd.scan.msk.f32 $0xffff, v58  }
0x5d: {  	v22 =	vld [tilespmem:s31+$0x24D0];
	v13 =	vmul.f32 v13, v12;
	(xrf2) =	vadd.scan.msk.f32 $0xffff, v60  }
0x5e: {  	v24 =	vld [tilespmem:s31+$0x4E0];
	v21 =	vmul.f32 v15, v14;
	(xrf2) =	vadd.scan.msk.f32 $0xffff, v62  }
0x5f: {  	v26 =	vld [tilespmem:s31+$0x24E0];
	v23 =	vmul.f32 v17, v16;
	(xrf2) =	vadd.scan.msk.f32 $0xffff, v13  }
0x60: {  	v25 =	vmul.f32 v19, v18;
	(xrf2) =	vadd.scan.msk.f32 $0xffff, v21  }
0x61: {  	v27 =	vmul.f32 v55, v54;
	(xrf2) =	vadd.scan.msk.f32 $0xffff, v23  }
0x62: {  	v29 =	vld [tilespmem:s31+$0x4F0];
	v28 =	vmul.f32 v59, v57;
	(xrf2) =	vadd.scan.msk.f32 $0xffff, v25  }
0x63: {  	v32 =	vld [tilespmem:s31+$0x24F0];
	v31 =	vmul.f32 v63, v61;
	v30, _, _ =	vpop (xrf2);
	(xrf2) =	vadd.scan.msk.f32 $0xffff, v27  }
0x64: {  	v35 =	vmul.f32 v22, v20;
	v38 =	vmul.f32 v26, v24;
	v33, _, _ =	vpop (xrf2);
	(xrf2) =	vadd.scan.msk.f32 $0xffff, v28  }
0x65: {  	v34 =	vbroadcast v30, $0xF;
	v36, _, _ =	vpop (xrf2);
	(xrf2) =	vadd.scan.msk.f32 $0xffff, v31;
	v37 =	vbroadcast v33, $0xF  }
0x66: {  	v39, _, _ =	vpop (xrf2);
	(xrf2) =	vadd.scan.msk.f32 $0xffff, v35;
	v40 =	vbroadcast v36, $0xF  }
0x67: {  	v0 =	vsel vm0, v34, v37;
	v41 =	vbroadcast v39, $0xF;
	v42, _, _ =	vpop (xrf2);
	(xrf2) =	vadd.scan.msk.f32 $0xffff, v38  }
0x68: {  	v2 =	vmul.f32 v32, v29;
	v43, _, _ =	vpop (xrf2);
	v0 =	vsel vm1, v0, v40;
	v44 =	vbroadcast v42, $0xF  }
0x69: {  	v45, _, _ =	vpop (xrf2);
	v0 =	vsel vm2, v0, v41;
	v46 =	vbroadcast v43, $0xF  }
0x6a: {  	(xrf2) =	vadd.scan.msk.f32 $0xffff, v2;
	v0 =	vsel vm3, v0, v44;
	v47 =	vbroadcast v45, $0xF;
	v48, _, _ =	vpop (xrf2)  }
0x6b: {  	v49, _, _ =	vpop (xrf2);
	v0 =	vsel vm4, v0, v46;
	v50 =	vbroadcast v48, $0xF  }
0x6c: {  	v51, _, _ =	vpop (xrf2);
	v0 =	vsel vm5, v0, v47;
	v2 =	vbroadcast v49, $0xF  }
0x6d: {  	v52, _, _ =	vpop (xrf2);
	v0 =	vsel vm6, v0, v50;
	v53 =	vbroadcast v51, $0xF  }
0x6e: {  	v54, _, _ =	vpop (xrf2);
	v0 =	vsel vm7, v0, v2;
	v55 =	vbroadcast v52, $0xF  }
0x6f: {  	v56, _, _ =	vpop (xrf2);
	v0 =	vsel vm8, v0, v53;
	v57 =	vbroadcast v54, $0xF  }
0x70: {  	v58, _, _ =	vpop (xrf2);
	v0 =	vsel vm9, v0, v55;
	v59 =	vbroadcast v56, $0xF  }
0x71: {  	v60, _, _ =	vpop (xrf2);
	v0 =	vsel vm10, v0, v57;
	v61 =	vbroadcast v58, $0xF  }
0x72: {  	p0 =	sne.s32 s30, $0x7C00;
	v0 =	vsel vm11, v0, v59;
	v62 =	vbroadcast v60, $0xF  }
.Ltmp0:
0x73: {  	v0 =	vsel vm12, v0, v61;
	(pc) =	sbr.rel @p0 .LBB2_2-.Ltmp0, $4  }
0x74: {  	v63, _, _ =	vpop (xrf2);
	v0 =	vsel vm13, v0, v62  }
0x75: {  	v0 =	vsel vm14, v0, v63  }
0x76: {  	v0 =	vmax.f32 v0, $0.0e+00  }
0x77: {  	s30 =	sadd.s32 $0x400, s30;
	[tilespmem:s29+$0x0] =	vst v0;
	s29 =	sadd.s32 $0x10, s29  }
0x78: {  	s28 =	sadd.s32 $0x1, s28  }
0x79: {  	p0 =	sne.s32 s28, s8  }
.Ltmp1:
0x7a: {  	_ = 	snop;
	(pc) =	sbr.rel @p0 .LBB2_1-.Ltmp1, $4  }
0x7b: {  	[hbm4b:s7+s1] =	stream.linear.scatter [tilespmem:s26], [sflag:$0x2], $0x200, $0x38;
	[tilespmem:$0x4600] =	vst v63  }
0x7c: {  	_ =	swait.ge [sflag:s9], $0x200  }
0x7d: {  	[sflag:s9] =	ssyncset.done $0x0  }
0x7e: {  	[sflag:s9] =	ssyncadd.s32 $0xFFFFFE00  }
0x7f: {  	_ =	sfence.sel $0x180000  }
0x80: {  	[bflag:$0x0] =	sbarrier.arrive $0xFFFF  }
0x81: {  	p0 =	sne.s32 s2, $0x0;
	_ =	strace $0x90000047  }
0x82: {  	s0 =	sadd.s32 @!p0 $0x100000, s0;
	[bflag:$0x2] =	sbarrier.arrive $0xFFFF  }
0x83: {  	[sflag:s0] =	ssyncadd.tile.s32 @!p0 $0x1;
	_ =	shalt  }
.Lfunc_end2:
_tile_overlayer_lowered:
.L_overlay_start_2:
0x84: {  	(tag) =	ssettag $0x2  }
0x85: {  	s0 =	rddreg [dreg:$0x0];
	s2 =	stileid.u32  }
0x86: {  	s1 =	rddreg [dreg:$0x1];
	p0 =	sne.s32 s2, $0x0  }
0x87: {  	s3 =	rddreg [dreg:$0x2];
	[bflag:$0x3] =	sbarrier.arrive $0xFFFF;
	s2 =	simm.s32 @!p0 $0x1C02  }
0x88: {  	[timem:s3], [sflag:s2] =	dma.local @!p0 [hbm:s0], s1  }
0x89: {  	s0 =	simm.s32 @!p0 $0x2  }
0x8a: {  	_ =	swait.ge @!p0 [sflag:s0], s1  }
0x8b: {  	s1 =	ssub.s32 @!p0 $0x0, s1;
	[sflag:s0] =	ssyncset.done @!p0 $0x0  }
0x8c: {  	[sflag:s0] =	ssyncadd.s32 @!p0 s1  }
0x8d: {  	[bflag:$0x3] =	sbarrier.arrive $0xFFFF  }
0x8e: {  	_ =	shalt  }

</sc_bundles>
